<compile_context>
chip_gen: v7x
topology: tpu7x:2x2x1
jax: 0.10.2.dev20260603
libtpu: 0.0.44.dev20260713+nightly
codegen_flags: <defaults>
</compile_context>

<pallas_src>
import functools

import jax
import jax.numpy as jnp
from jax import lax
from jax.experimental import pallas as pl
from jax.experimental.pallas import tpu as pltpu
from jax.experimental.pallas import tpu_sc as plsc

_N = 10000
_D = 128
_E = 320000
_NC = 2
_NS = 16
_NW = _NC * _NS
_CHUNK = 128
_NPAD = 10240
_ROWS_PER_SUB = _NPAD // _NS
_CHUNKS_PER_W = 80
_EDGES_PER_W = _CHUNKS_PER_W * _CHUNK
_EP = _NW * _EDGES_PER_W
_NGROUPS = _CHUNKS_PER_W // 4
_BLK = 512


def _sc_degree(dst_pad):
    mesh = plsc.VectorSubcoreMesh(core_axis_name="c", subcore_axis_name="s")

    @functools.partial(
        pl.kernel,
        out_type=jax.ShapeDtypeStruct((_NC, _NPAD), jnp.float32),
        mesh=mesh,
        scratch_types=[
            pltpu.VMEM((_CHUNK,), jnp.int32),
            pltpu.VMEM((_CHUNK,), jnp.int32),
            pltpu.VMEM((_CHUNK,), jnp.float32),
            pltpu.VMEM((_ROWS_PER_SUB,), jnp.float32),
            pltpu.VMEM_SHARED((_NPAD,), jnp.float32),
            pltpu.SemaphoreType.DMA((2,)),
        ],
    )
    def k(dst_hbm, deg_hbm, iA, iB, ones_v, zeros_v, deg_sh, isem):
        c = lax.axis_index("c")
        s = lax.axis_index("s")
        w = c * _NS + s
        base0 = w * _EDGES_PER_W

        def fill_ones(i, _):
            ones_v[pl.ds(i * 16, 16)] = jnp.ones((16,), jnp.float32)
            return 0

        lax.fori_loop(0, _CHUNK // 16, fill_ones, 0)

        def fill_zeros(i, _):
            zeros_v[pl.ds(i * 16, 16)] = jnp.zeros((16,), jnp.float32)
            return 0

        lax.fori_loop(0, _ROWS_PER_SUB // 16, fill_zeros, 0)
        pltpu.sync_copy(zeros_v, deg_sh.at[pl.ds(s * _ROWS_PER_SUB, _ROWS_PER_SUB)])
        plsc.subcore_barrier()

        pltpu.async_copy(dst_hbm.at[pl.ds(base0, _CHUNK)], iA, isem.at[0])
        pltpu.async_copy(dst_hbm.at[pl.ds(base0 + _CHUNK, _CHUNK)], iB,
                         isem.at[1])

        def body(i, _):
            for par, iv in ((0, iA), (1, iB)):
                ci = 2 * i + par
                pltpu.make_async_copy(
                    dst_hbm.at[pl.ds(0, _CHUNK)], iv, isem.at[par]).wait()
                pltpu.sync_copy(ones_v, deg_sh.at[iv], add=True)

                @pl.when(ci < _CHUNKS_PER_W - 2)
                def _():
                    pltpu.async_copy(
                        dst_hbm.at[pl.ds(base0 + (ci + 2) * _CHUNK, _CHUNK)],
                        iv, isem.at[par])
            return 0

        lax.fori_loop(0, _CHUNKS_PER_W // 2, body, 0)
        plsc.subcore_barrier()
        pltpu.sync_copy(
            deg_sh.at[pl.ds(s * _ROWS_PER_SUB, _ROWS_PER_SUB)],
            deg_hbm.at[c, pl.ds(s * _ROWS_PER_SUB, _ROWS_PER_SUB)],
        )

    return k(dst_pad)


def _sc_gather_scatter(g, src_pad, dst_pad):
    mesh = plsc.VectorSubcoreMesh(core_axis_name="c", subcore_axis_name="s")

    @functools.partial(
        pl.kernel,
        out_type=jax.ShapeDtypeStruct((_NC, _NPAD, _D), jnp.float32),
        mesh=mesh,
        scratch_types=[
            pltpu.VMEM((_CHUNK,), jnp.int32),
            pltpu.VMEM((_CHUNK,), jnp.int32),
            pltpu.VMEM((_CHUNK,), jnp.int32),
            pltpu.VMEM((_CHUNK,), jnp.int32),
            pltpu.VMEM((2, _CHUNK, _D), jnp.float32),
            pltpu.VMEM_SHARED((_NPAD, _D), jnp.float32),
            pltpu.SemaphoreType.DMA((2,)),
            pltpu.SemaphoreType.DMA((2,)),
        ],
    )
    def k(g_hbm, src_hbm, dst_hbm, acc_hbm, sA, sB, dA, dB, rows, acc_sh,
          gsem, isem):
        c = lax.axis_index("c")
        s = lax.axis_index("s")
        w = c * _NS + s
        base0 = w * _EDGES_PER_W

        @pl.when(c == 0)
        def _():
            pltpu.sync_copy(
                g_hbm.at[pl.ds(s * _ROWS_PER_SUB, _ROWS_PER_SUB)],
                acc_sh.at[pl.ds(s * _ROWS_PER_SUB, _ROWS_PER_SUB)],
            )

        @pl.when(c == 1)
        def _():
            def zero_row(r, _):
                for j in range(_D // 16):
                    rows[0, r, pl.ds(j * 16, 16)] = jnp.zeros(
                        (16,), jnp.float32)
                return 0

            lax.fori_loop(0, _CHUNK, zero_row, 0)
            for t in range(_ROWS_PER_SUB // _CHUNK):
                pltpu.sync_copy(
                    rows.at[0],
                    acc_sh.at[pl.ds(s * _ROWS_PER_SUB + t * _CHUNK, _CHUNK)],
                )

        plsc.subcore_barrier()

        pltpu.async_copy(src_hbm.at[pl.ds(base0, _CHUNK)], sA, isem.at[0])
        pltpu.async_copy(dst_hbm.at[pl.ds(base0, _CHUNK)], dA, isem.at[0])
        pltpu.async_copy(src_hbm.at[pl.ds(base0 + _CHUNK, _CHUNK)], sB,
                         isem.at[1])
        pltpu.async_copy(dst_hbm.at[pl.ds(base0 + _CHUNK, _CHUNK)], dB,
                         isem.at[1])
        pltpu.make_async_copy(
            src_hbm.at[pl.ds(0, _CHUNK)], sA, isem.at[0]).wait()
        pltpu.make_async_copy(
            dst_hbm.at[pl.ds(0, _CHUNK)], dA, isem.at[0]).wait()
        pltpu.async_copy(g_hbm.at[sA], rows.at[0], gsem.at[0])

        def body(i, _):
            for par, si, di, so, do in ((0, sA, dA, sB, dB),
                                        (1, sB, dB, sA, dA)):
                ci = 2 * i + par

                @pl.when(ci < _CHUNKS_PER_W - 1)
                def _():
                    pltpu.make_async_copy(
                        src_hbm.at[pl.ds(0, _CHUNK)], so,
                        isem.at[1 - par]).wait()
                    pltpu.make_async_copy(
                        dst_hbm.at[pl.ds(0, _CHUNK)], do,
                        isem.at[1 - par]).wait()
                    pltpu.async_copy(g_hbm.at[so], rows.at[1 - par],
                                     gsem.at[1 - par])

                pltpu.make_async_copy(
                    g_hbm.at[pl.ds(0, _CHUNK)], rows.at[par],
                    gsem.at[par]).wait()

                @pl.when(ci < _CHUNKS_PER_W - 2)
                def _():
                    pltpu.async_copy(
                        src_hbm.at[pl.ds(base0 + (ci + 2) * _CHUNK, _CHUNK)],
                        si, isem.at[par])

                pltpu.sync_copy(rows.at[par], acc_sh.at[di], add=True)

                @pl.when(ci < _CHUNKS_PER_W - 2)
                def _():
                    pltpu.async_copy(
                        dst_hbm.at[pl.ds(base0 + (ci + 2) * _CHUNK, _CHUNK)],
                        di, isem.at[par])
            return 0

        lax.fori_loop(0, _CHUNKS_PER_W // 2, body, 0)
        plsc.subcore_barrier()
        pltpu.sync_copy(
            acc_sh.at[pl.ds(s * _ROWS_PER_SUB, _ROWS_PER_SUB)],
            acc_hbm.at[c, pl.ds(s * _ROWS_PER_SUB, _ROWS_PER_SUB)],
        )

    return k(g, src_pad, dst_pad)


def _tc_matmuls(z_pad, W1, b1r, Wg):

    def body(z_ref, w1_ref, b1_ref, wg_ref, h2_ref):
        h = jnp.maximum(
            jnp.dot(z_ref[...], w1_ref[...], preferred_element_type=jnp.float32)
            + b1_ref[...],
            0.0,
        )
        h2_ref[...] = jnp.dot(h, wg_ref[...],
                              preferred_element_type=jnp.float32)

    return pl.pallas_call(
        body,
        grid=(_NPAD // _BLK,),
        in_specs=[
            pl.BlockSpec((_BLK, _D), lambda i: (i, 0)),
            pl.BlockSpec((_D, _D), lambda i: (0, 0)),
            pl.BlockSpec((1, _D), lambda i: (0, 0)),
            pl.BlockSpec((_D, _D), lambda i: (0, 0)),
        ],
        out_specs=pl.BlockSpec((_BLK, _D), lambda i: (i, 0)),
        out_shape=jax.ShapeDtypeStruct((_NPAD, _D), jnp.float32),
    )(z_pad, W1, b1r, Wg)


def _tc_scale(h2, deg):

    def body(h2_ref, deg_ref, g_ref):
        i = pl.program_id(0)
        dsum = (
            deg_ref[0, pl.ds(i * _BLK, _BLK)]
            + deg_ref[1, pl.ds(i * _BLK, _BLK)]
            + 1.0
        )
        dinv = lax.rsqrt(dsum)
        g_ref[...] = h2_ref[...] * dinv[:, None]

    return pl.pallas_call(
        body,
        grid=(_NPAD // _BLK,),
        in_specs=[
            pl.BlockSpec((_BLK, _D), lambda i: (i, 0)),
            pl.BlockSpec((_NC, _NPAD), lambda i: (0, 0)),
        ],
        out_specs=pl.BlockSpec((_BLK, _D), lambda i: (i, 0)),
        out_shape=jax.ShapeDtypeStruct((_NPAD, _D), jnp.float32),
    )(h2, deg)


def _tc_post(acc, deg, bgr, W2, b2r):

    def body(acc_ref, deg_ref, bg_ref, w2_ref, b2_ref, out_ref):
        i = pl.program_id(0)
        dsum = (
            deg_ref[0, pl.ds(i * _BLK, _BLK)]
            + deg_ref[1, pl.ds(i * _BLK, _BLK)]
            + 1.0
        )
        dinv = lax.rsqrt(dsum)
        x = (acc_ref[0] + acc_ref[1]) * dinv[:, None]
        h3 = jnp.maximum(x + bg_ref[...], 0.0)
        out_ref[...] = (
            jnp.dot(h3, w2_ref[...], preferred_element_type=jnp.float32)
            + b2_ref[...]
        )

    return pl.pallas_call(
        body,
        grid=(_NPAD // _BLK,),
        in_specs=[
            pl.BlockSpec((_NC, _BLK, _D), lambda i: (0, i, 0)),
            pl.BlockSpec((_NC, _NPAD), lambda i: (0, 0)),
            pl.BlockSpec((1, _D), lambda i: (0, 0)),
            pl.BlockSpec((_D, _D), lambda i: (0, 0)),
            pl.BlockSpec((1, _D), lambda i: (0, 0)),
        ],
        out_specs=pl.BlockSpec((_BLK, _D), lambda i: (i, 0)),
        out_shape=jax.ShapeDtypeStruct((_NPAD, _D), jnp.float32),
    )(acc, deg, bgr, W2, b2r)


def kernel(z, edge_index, W1, b1, Wg, bg, W2, b2):
    src = edge_index[0]
    dst = edge_index[1]
    pad_e = _EP - _E
    pad_iota = jnp.arange(pad_e, dtype=jnp.int32)
    src_p = jnp.concatenate([src, pad_iota % _N])
    dst_p = jnp.concatenate([dst, _N + pad_iota % (_NPAD - _N)])
    z_pad = jnp.pad(z, ((0, _NPAD - _N), (0, 0)))

    deg = _sc_degree(dst_p)
    h2 = _tc_matmuls(z_pad, W1, b1.reshape(1, _D), Wg)
    g = _tc_scale(h2, deg)
    acc = _sc_gather_scatter(g, src_p, dst_p)
    out = _tc_post(acc, deg, bg.reshape(1, _D), W2, b2.reshape(1, _D))
    return out[:_N]

# --- scband reference (transcript-rebuilt; emitter-appended) ---
"""Pipeline reference for scband-variational-graph-decoder-62337155334454 (READ-ONLY COPY).

The authoritative reference and input builder live on the scoring server;
editing this copy changes nothing except your own understanding.
"""

import jax, jax.numpy as jnp
import numpy as np

N = 10000
E = 320000
D = 128


def setup_inputs(seed: int = 0) -> dict:
    key = jax.random.key(seed)
    ks = jax.random.split(key, 8)
    z = jax.random.normal(ks[0], (N, D), dtype=jnp.float32)
    edge_index = jax.random.randint(ks[1], (2, E), 0, N, dtype=jnp.int32)
    s = 1.0 / np.sqrt(D)
    W1 = jax.random.uniform(ks[2], (D, D), dtype=jnp.float32, minval=-s, maxval=s)
    b1 = jax.random.uniform(ks[3], (D,), dtype=jnp.float32, minval=-s, maxval=s)
    Wg = jax.random.uniform(ks[4], (D, D), dtype=jnp.float32, minval=-s, maxval=s)
    bg = jnp.zeros((D,), dtype=jnp.float32)
    W2 = jax.random.uniform(ks[5], (D, D), dtype=jnp.float32, minval=-s, maxval=s)
    b2 = jax.random.uniform(ks[6], (D,), dtype=jnp.float32, minval=-s, maxval=s)
    return {"z": z, "edge_index": edge_index, "W1": W1, "b1": b1, "Wg": Wg, "bg": bg, "W2": W2, "b2": b2}


def _gcn_conv(x, src, dst, W, b, num_nodes):
    # PyG-style GCNConv: x' = D^{-1/2} (A + I) D^{-1/2} (x W) + b
    h = x @ W
    ones = jnp.ones(src.shape[0], dtype=h.dtype)
    deg = jax.ops.segment_sum(ones, dst, num_segments=num_nodes)
    dinv = jnp.where(deg > 0, deg ** -0.5, 0.0)
    norm = dinv[src] * dinv[dst]
    msg = h[src] * norm[:, None]
    out = jax.ops.segment_sum(msg, dst, num_segments=num_nodes)
    return out + b


def reference(z, edge_index, W1, b1, Wg, bg, W2, b2):
    num_nodes = z.shape[0]
    # add self-loops
    sl = jnp.arange(num_nodes, dtype=edge_index.dtype)
    src = jnp.concatenate([edge_index[0], sl])
    dst = jnp.concatenate([edge_index[1], sl])
    h = jax.nn.relu(z @ W1 + b1)
    h = jax.nn.relu(_gcn_conv(h, src, dst, Wg, bg, num_nodes))
    out = h @ W2 + b2
    return out

if __name__ == "__main__":
    import jax
    _d = setup_inputs()
    print(jax.jit(kernel)(*tuple(_d.values())))

</pallas_src>

<mosaic_0001>
#map = affine_map<(d0, d1) -> (0)>
#map1 = affine_map<(d0, d1) -> (0, 0)>
module attributes {stable_mosaic.version = 14 : i64} {
  func.func @k(%arg0: i32, %arg1: i32, %arg2: memref<327680xi32, #tpu.memory_space<hbm>>, %arg3: memref<2x10240xf32, #tpu.memory_space<hbm>>, %arg4: memref<128xi32, #tpu.memory_space<vmem>>, %arg5: memref<128xi32, #tpu.memory_space<vmem>>, %arg6: memref<128xf32, #tpu.memory_space<vmem>>, %arg7: memref<640xf32, #tpu.memory_space<vmem>>, %arg8: memref<10240xf32, #tpu.memory_space<vmem_shared>>, %arg9: memref<2x!tpu.dma_semaphore, #tpu.memory_space<semaphore_mem>>) attributes {dimension_semantics = [#tpu.dimension_semantics<core_parallel>, #tpu.dimension_semantics<subcore_parallel>], iteration_bounds = array<i64: 2, 16>, scalar_prefetch = 0 : i64, scratch_operands = 6 : i64, tpu.core_type = #tpu.core_type<sc_vector_subcore>, window_params = [{transform_indices = #map}, {transform_indices = #map1}]} {
    %mul3A = arith.constant 16 : i32
    %mul3A_0 = arith.muli %arg0, %mul3A : i32
    %add3A = arith.addi %mul3A_0, %arg1 : i32
    %mul3A_1 = arith.constant 10240 : i32
    %mul3A_2 = arith.muli %add3A, %mul3A_1 : i32
    %scan3A = arith.constant 0 : i32
    %scan3A_3 = arith.constant 0 : i32
    %scan3A_4 = arith.constant 8 : i32
    %scan3A_5 = arith.addi %scan3A_3, %scan3A_4 : i32
    %scan3A_6 = arith.constant 1 : i32
    %scan3A_7 = scf.for %scan3A_41 = %scan3A_3 to %scan3A_5 step %scan3A_6 iter_args(%scan3A_42 = %scan3A) -> (i32)  : i32 {
      %broadcast_in_dim3A = arith.constant 1.000000e+00 : f32
      %broadcast_in_dim3A_43 = vector.broadcast %broadcast_in_dim3A : f32 to vector<16xf32>
      %mul3A_44 = arith.constant 16 : i32
      %mul3A_45 = arith.muli %scan3A_41, %mul3A_44 : i32
      %swap3A = arith.index_cast %mul3A_45 : i32 to index
      %swap3A_46 = tpu.vector_load %arg6[%swap3A] {strides = array<i32>} : memref<128xf32, #tpu.memory_space<vmem>>, vector<16xf32>,
      %swap3A_47 = vector.shape_cast %swap3A_46 : vector<16xf32> to vector<16xf32>
      %swap3A_48 = vector.shape_cast %broadcast_in_dim3A_43 : vector<16xf32> to vector<16xf32>
      tpu.vector_store %arg6[%swap3A], %swap3A_48 {strides = array<i32>} : memref<128xf32, #tpu.memory_space<vmem>>, vector<16xf32>,
      %scan3A_49 = arith.constant 0 : i32
      scf.yield %scan3A_49 : i32
    }
    %scan3A_8 = arith.constant 8 : i32
    %scan3A_9 = arith.constant 0 : i32
    %scan3A_10 = arith.constant 0 : i32
    %scan3A_11 = arith.constant 40 : i32
    %scan3A_12 = arith.addi %scan3A_10, %scan3A_11 : i32
    %scan3A_13 = arith.constant 1 : i32
    %scan3A_14 = scf.for %scan3A_41 = %scan3A_10 to %scan3A_12 step %scan3A_13 iter_args(%scan3A_42 = %scan3A_9) -> (i32)  : i32 {
      %broadcast_in_dim3A = arith.constant 0.000000e+00 : f32
      %broadcast_in_dim3A_43 = vector.broadcast %broadcast_in_dim3A : f32 to vector<16xf32>
      %mul3A_44 = arith.constant 16 : i32
      %mul3A_45 = arith.muli %scan3A_41, %mul3A_44 : i32
      %swap3A = arith.index_cast %mul3A_45 : i32 to index
      %swap3A_46 = tpu.vector_load %arg7[%swap3A] {strides = array<i32>} : memref<640xf32, #tpu.memory_space<vmem>>, vector<16xf32>,
      %swap3A_47 = vector.shape_cast %swap3A_46 : vector<16xf32> to vector<16xf32>
      %swap3A_48 = vector.shape_cast %broadcast_in_dim3A_43 : vector<16xf32> to vector<16xf32>
      tpu.vector_store %arg7[%swap3A], %swap3A_48 {strides = array<i32>} : memref<640xf32, #tpu.memory_space<vmem>>, vector<16xf32>,
      %scan3A_49 = arith.constant 0 : i32
      scf.yield %scan3A_49 : i32
    }
    %scan3A_15 = arith.constant 40 : i32
    %mul3A_16 = arith.constant 640 : i32
    %mul3A_17 = arith.muli %arg1, %mul3A_16 : i32
    "tpu.region"() ({
      %run_scoped3A = tpu.sem_alloc : memref<!tpu.dma_semaphore, #tpu.memory_space<semaphore_mem>>
      %dma_start3A_41 = tpu.memref_slice %arg8[%mul3A_17] : memref<10240xf32, #tpu.memory_space<vmem_shared>> -> memref<640xf32, #tpu.memory_space<vmem_shared>>
      %dma_start3A_42 = tpu.memref_slice %arg8[%mul3A_17] : memref<10240xf32, #tpu.memory_space<vmem_shared>> -> memref<640xf32, #tpu.memory_space<vmem_shared>>
      tpu.enqueue_dma source(%arg7 : memref<640xf32, #tpu.memory_space<vmem>>) target(%dma_start3A_42 : memref<640xf32, #tpu.memory_space<vmem_shared>>) target_semaphore(%run_scoped3A : memref<!tpu.dma_semaphore, #tpu.memory_space<semaphore_mem>>)
      %dma_wait3A = tpu.memref_slice %arg8[%mul3A_17] : memref<10240xf32, #tpu.memory_space<vmem_shared>> -> memref<640xf32, #tpu.memory_space<vmem_shared>>
      %dma_wait3A_43 = tpu.memref_slice %arg8[%mul3A_17] : memref<10240xf32, #tpu.memory_space<vmem_shared>> -> memref<640xf32, #tpu.memory_space<vmem_shared>>
      tpu.wait_dma2 semaphore(%run_scoped3A : memref<!tpu.dma_semaphore, #tpu.memory_space<semaphore_mem>>) src(%arg7 : memref<640xf32, #tpu.memory_space<vmem>>) dst(%dma_wait3A_43 : memref<640xf32, #tpu.memory_space<vmem_shared>>)
      tpu.yield
    }) : () -> ()
    %barrier3A = arith.constant 0 : index
    tpu.barrier barrier_id(%barrier3A)
    %dma_start3A = arith.constant 0 : i32
    %dma_start3A_18 = tpu.memref_slice %arg2[%mul3A_2] : memref<327680xi32, #tpu.memory_space<hbm>> -> memref<128xi32, #tpu.memory_space<hbm>>
    %dma_start3A_19 = tpu.memref_slice %arg9[%dma_start3A] : memref<2x!tpu.dma_semaphore, #tpu.memory_space<semaphore_mem>> -> memref<1x!tpu.dma_semaphore, #tpu.memory_space<semaphore_mem>>
    %dma_start3A_20 = tpu.memref_squeeze %dma_start3A_19 : memref<1x!tpu.dma_semaphore, #tpu.memory_space<semaphore_mem>> -> memref<!tpu.dma_semaphore, #tpu.memory_space<semaphore_mem>>
    %dma_start3A_21 = tpu.memref_slice %arg2[%mul3A_2] : memref<327680xi32, #tpu.memory_space<hbm>> -> memref<128xi32, #tpu.memory_space<hbm>>
    tpu.enqueue_dma source(%dma_start3A_21 : memref<128xi32, #tpu.memory_space<hbm>>) target(%arg4 : memref<128xi32, #tpu.memory_space<vmem>>) target_semaphore(%dma_start3A_20 : memref<!tpu.dma_semaphore, #tpu.memory_space<semaphore_mem>>)
    %add3A_22 = arith.constant 128 : i32
    %add3A_23 = arith.addi %mul3A_2, %add3A_22 : i32
    %dma_start3A_24 = arith.constant 1 : i32
    %dma_start3A_25 = tpu.memref_slice %arg2[%add3A_23] : memref<327680xi32, #tpu.memory_space<hbm>> -> memref<128xi32, #tpu.memory_space<hbm>>
    %dma_start3A_26 = tpu.memref_slice %arg9[%dma_start3A_24] : memref<2x!tpu.dma_semaphore, #tpu.memory_space<semaphore_mem>> -> memref<1x!tpu.dma_semaphore, #tpu.memory_space<semaphore_mem>>
    %dma_start3A_27 = tpu.memref_squeeze %dma_start3A_26 : memref<1x!tpu.dma_semaphore, #tpu.memory_space<semaphore_mem>> -> memref<!tpu.dma_semaphore, #tpu.memory_space<semaphore_mem>>
    %dma_start3A_28 = tpu.memref_slice %arg2[%add3A_23] : memref<327680xi32, #tpu.memory_space<hbm>> -> memref<128xi32, #tpu.memory_space<hbm>>
    tpu.enqueue_dma source(%dma_start3A_28 : memref<128xi32, #tpu.memory_space<hbm>>) target(%arg5 : memref<128xi32, #tpu.memory_space<vmem>>) target_semaphore(%dma_start3A_27 : memref<!tpu.dma_semaphore, #tpu.memory_space<semaphore_mem>>)
    %scan3A_29 = arith.constant 0 : i32
    %scan3A_30 = arith.constant 0 : i32
    %scan3A_31 = arith.constant 40 : i32
    %scan3A_32 = arith.addi %scan3A_30, %scan3A_31 : i32
    %scan3A_33 = arith.constant 1 : i32
    %scan3A_34 = scf.for %scan3A_41 = %scan3A_30 to %scan3A_32 step %scan3A_33 iter_args(%scan3A_42 = %scan3A_29) -> (i32)  : i32 {
      %mul3A_43 = arith.constant 2 : i32
      %mul3A_44 = arith.muli %mul3A_43, %scan3A_41 : i32
      %add3A_45 = arith.constant 0 : i32
      %add3A_46 = arith.addi %mul3A_44, %add3A_45 : i32
      %dma_wait3A = arith.constant 0 : i32
      %dma_wait3A_47 = arith.constant 0 : i32
      %dma_wait3A_48 = tpu.memref_slice %arg2[%dma_wait3A_47] : memref<327680xi32, #tpu.memory_space<hbm>> -> memref<128xi32, #tpu.memory_space<hbm>>
      %dma_wait3A_49 = tpu.memref_slice %arg9[%dma_wait3A] : memref<2x!tpu.dma_semaphore, #tpu.memory_space<semaphore_mem>> -> memref<1x!tpu.dma_semaphore, #tpu.memory_space<semaphore_mem>>
      %dma_wait3A_50 = tpu.memref_squeeze %dma_wait3A_49 : memref<1x!tpu.dma_semaphore, #tpu.memory_space<semaphore_mem>> -> memref<!tpu.dma_semaphore, #tpu.memory_space<semaphore_mem>>
      %dma_wait3A_51 = arith.constant 0 : i32
      %dma_wait3A_52 = tpu.memref_slice %arg2[%dma_wait3A_51] : memref<327680xi32, #tpu.memory_space<hbm>> -> memref<128xi32, #tpu.memory_space<hbm>>
      tpu.wait_dma2 semaphore(%dma_wait3A_50 : memref<!tpu.dma_semaphore, #tpu.memory_space<semaphore_mem>>) src(%dma_wait3A_52 : memref<128xi32, #tpu.memory_space<hbm>>) dst(%arg4 : memref<128xi32, #tpu.memory_space<vmem>>)
      "tpu.region"() ({
        %run_scoped3A = tpu.sem_alloc : memref<!tpu.dma_semaphore, #tpu.memory_space<semaphore_mem>>
        %dma_start3A_72 = arith.constant 0 : i32
        %dma_start3A_73 = tpu.memref_slice %arg8[%dma_start3A_72] : memref<10240xf32, #tpu.memory_space<vmem_shared>> -> memref<10240xf32, #tpu.memory_space<vmem_shared>>
        tpu.enqueue_indirect_dma source(%arg6 : memref<128xf32, #tpu.memory_space<vmem>>) target(%dma_start3A_73 : memref<10240xf32, #tpu.memory_space<vmem_shared>>) offsets(%arg4 : memref<128xi32, #tpu.memory_space<vmem>>) semaphore(%run_scoped3A : memref<!tpu.dma_semaphore, #tpu.memory_space<semaphore_mem>>) {add = true}
        %dma_wait3A_74 = arith.constant 0 : i32
        %dma_wait3A_75 = tpu.memref_slice %arg8[%dma_wait3A_74] : memref<10240xf32, #tpu.memory_space<vmem_shared>> -> memref<10240xf32, #tpu.memory_space<vmem_shared>>
        tpu.wait_indirect_dma semaphore(%run_scoped3A : memref<!tpu.dma_semaphore, #tpu.memory_space<semaphore_mem>>) src(%arg6 : memref<128xf32, #tpu.memory_space<vmem>>) dst(%dma_wait3A_75 : memref<10240xf32, #tpu.memory_space<vmem_shared>>)
        tpu.yield
      }) : () -> ()
      %lt3A = arith.constant 78 : i32
      %lt3A_53 = arith.cmpi slt, %add3A_46, %lt3A : i32
      %convert_element_type3A = arith.extui %lt3A_53 : i1 to i32
      %cond3A = arith.constant 0 : i32
      %cond3A_54 = arith.cmpi ne, %convert_element_type3A, %cond3A : i32
      scf.if %cond3A_54 {
        %add3A_72 = arith.constant 2 : i32
        %add3A_73 = arith.addi %add3A_46, %add3A_72 : i32
        %mul3A_74 = arith.constant 128 : i32
        %mul3A_75 = arith.muli %add3A_73, %mul3A_74 : i32
        %add3A_76 = arith.addi %mul3A_2, %mul3A_75 : i32
        %dma_start3A_77 = arith.constant 0 : i32
        %dma_start3A_78 = tpu.memref_slice %arg2[%add3A_76] : memref<327680xi32, #tpu.memory_space<hbm>> -> memref<128xi32, #tpu.memory_space<hbm>>
        %dma_start3A_79 = tpu.memref_slice %arg9[%dma_start3A_77] : memref<2x!tpu.dma_semaphore, #tpu.memory_space<semaphore_mem>> -> memref<1x!tpu.dma_semaphore, #tpu.memory_space<semaphore_mem>>
        %dma_start3A_80 = tpu.memref_squeeze %dma_start3A_79 : memref<1x!tpu.dma_semaphore, #tpu.memory_space<semaphore_mem>> -> memref<!tpu.dma_semaphore, #tpu.memory_space<semaphore_mem>>
        %dma_start3A_81 = tpu.memref_slice %arg2[%add3A_76] : memref<327680xi32, #tpu.memory_space<hbm>> -> memref<128xi32, #tpu.memory_space<hbm>>
        tpu.enqueue_dma source(%dma_start3A_81 : memref<128xi32, #tpu.memory_space<hbm>>) target(%arg4 : memref<128xi32, #tpu.memory_space<vmem>>) target_semaphore(%dma_start3A_80 : memref<!tpu.dma_semaphore, #tpu.memory_space<semaphore_mem>>)
      } else {
      }
      %mul3A_55 = arith.constant 2 : i32
      %mul3A_56 = arith.muli %mul3A_55, %scan3A_41 : i32
      %add3A_57 = arith.constant 1 : i32
      %add3A_58 = arith.addi %mul3A_56, %add3A_57 : i32
      %dma_wait3A_59 = arith.constant 1 : i32
      %dma_wait3A_60 = arith.constant 0 : i32
      %dma_wait3A_61 = tpu.memref_slice %arg2[%dma_wait3A_60] : memref<327680xi32, #tpu.memory_space<hbm>> -> memref<128xi32, #tpu.memory_space<hbm>>
      %dma_wait3A_62 = tpu.memref_slice %arg9[%dma_wait3A_59] : memref<2x!tpu.dma_semaphore, #tpu.memory_space<semaphore_mem>> -> memref<1x!tpu.dma_semaphore, #tpu.memory_space<semaphore_mem>>
      %dma_wait3A_63 = tpu.memref_squeeze %dma_wait3A_62 : memref<1x!tpu.dma_semaphore, #tpu.memory_space<semaphore_mem>> -> memref<!tpu.dma_semaphore, #tpu.memory_space<semaphore_mem>>
      %dma_wait3A_64 = arith.constant 0 : i32
      %dma_wait3A_65 = tpu.memref_slice %arg2[%dma_wait3A_64] : memref<327680xi32, #tpu.memory_space<hbm>> -> memref<128xi32, #tpu.memory_space<hbm>>
      tpu.wait_dma2 semaphore(%dma_wait3A_63 : memref<!tpu.dma_semaphore, #tpu.memory_space<semaphore_mem>>) src(%dma_wait3A_65 : memref<128xi32, #tpu.memory_space<hbm>>) dst(%arg5 : memref<128xi32, #tpu.memory_space<vmem>>)
      "tpu.region"() ({
        %run_scoped3A = tpu.sem_alloc : memref<!tpu.dma_semaphore, #tpu.memory_space<semaphore_mem>>
        %dma_start3A_72 = arith.constant 0 : i32
        %dma_start3A_73 = tpu.memref_slice %arg8[%dma_start3A_72] : memref<10240xf32, #tpu.memory_space<vmem_shared>> -> memref<10240xf32, #tpu.memory_space<vmem_shared>>
        tpu.enqueue_indirect_dma source(%arg6 : memref<128xf32, #tpu.memory_space<vmem>>) target(%dma_start3A_73 : memref<10240xf32, #tpu.memory_space<vmem_shared>>) offsets(%arg5 : memref<128xi32, #tpu.memory_space<vmem>>) semaphore(%run_scoped3A : memref<!tpu.dma_semaphore, #tpu.memory_space<semaphore_mem>>) {add = true}
        %dma_wait3A_74 = arith.constant 0 : i32
        %dma_wait3A_75 = tpu.memref_slice %arg8[%dma_wait3A_74] : memref<10240xf32, #tpu.memory_space<vmem_shared>> -> memref<10240xf32, #tpu.memory_space<vmem_shared>>
        tpu.wait_indirect_dma semaphore(%run_scoped3A : memref<!tpu.dma_semaphore, #tpu.memory_space<semaphore_mem>>) src(%arg6 : memref<128xf32, #tpu.memory_space<vmem>>) dst(%dma_wait3A_75 : memref<10240xf32, #tpu.memory_space<vmem_shared>>)
        tpu.yield
      }) : () -> ()
      %lt3A_66 = arith.constant 78 : i32
      %lt3A_67 = arith.cmpi slt, %add3A_58, %lt3A_66 : i32
      %convert_element_type3A_68 = arith.extui %lt3A_67 : i1 to i32
      %cond3A_69 = arith.constant 0 : i32
      %cond3A_70 = arith.cmpi ne, %convert_element_type3A_68, %cond3A_69 : i32
      scf.if %cond3A_70 {
        %add3A_72 = arith.constant 2 : i32
        %add3A_73 = arith.addi %add3A_58, %add3A_72 : i32
        %mul3A_74 = arith.constant 128 : i32
        %mul3A_75 = arith.muli %add3A_73, %mul3A_74 : i32
        %add3A_76 = arith.addi %mul3A_2, %mul3A_75 : i32
        %dma_start3A_77 = arith.constant 1 : i32
        %dma_start3A_78 = tpu.memref_slice %arg2[%add3A_76] : memref<327680xi32, #tpu.memory_space<hbm>> -> memref<128xi32, #tpu.memory_space<hbm>>
        %dma_start3A_79 = tpu.memref_slice %arg9[%dma_start3A_77] : memref<2x!tpu.dma_semaphore, #tpu.memory_space<semaphore_mem>> -> memref<1x!tpu.dma_semaphore, #tpu.memory_space<semaphore_mem>>
        %dma_start3A_80 = tpu.memref_squeeze %dma_start3A_79 : memref<1x!tpu.dma_semaphore, #tpu.memory_space<semaphore_mem>> -> memref<!tpu.dma_semaphore, #tpu.memory_space<semaphore_mem>>
        %dma_start3A_81 = tpu.memref_slice %arg2[%add3A_76] : memref<327680xi32, #tpu.memory_space<hbm>> -> memref<128xi32, #tpu.memory_space<hbm>>
        tpu.enqueue_dma source(%dma_start3A_81 : memref<128xi32, #tpu.memory_space<hbm>>) target(%arg5 : memref<128xi32, #tpu.memory_space<vmem>>) target_semaphore(%dma_start3A_80 : memref<!tpu.dma_semaphore, #tpu.memory_space<semaphore_mem>>)
      } else {
      }
      %scan3A_71 = arith.constant 0 : i32
      scf.yield %scan3A_71 : i32
    }
    %scan3A_35 = arith.constant 40 : i32
    %barrier3A_36 = arith.constant 0 : index
    tpu.barrier barrier_id(%barrier3A_36)
    %mul3A_37 = arith.constant 640 : i32
    %mul3A_38 = arith.muli %arg1, %mul3A_37 : i32
    %mul3A_39 = arith.constant 640 : i32
    %mul3A_40 = arith.muli %arg1, %mul3A_39 : i32
    "tpu.region"() ({
      %run_scoped3A = tpu.sem_alloc : memref<!tpu.dma_semaphore, #tpu.memory_space<semaphore_mem>>
      %dma_start3A_41 = tpu.memref_slice %arg3[%arg0, %mul3A_40] : memref<2x10240xf32, #tpu.memory_space<hbm>> -> memref<1x640xf32, #tpu.memory_space<hbm>>
      %dma_start3A_42 = tpu.memref_squeeze %dma_start3A_41 : memref<1x640xf32, #tpu.memory_space<hbm>> -> memref<640xf32, #tpu.memory_space<hbm>>
      %dma_start3A_43 = tpu.memref_slice %arg8[%mul3A_38] : memref<10240xf32, #tpu.memory_space<vmem_shared>> -> memref<640xf32, #tpu.memory_space<vmem_shared>>
      tpu.enqueue_dma source(%dma_start3A_43 : memref<640xf32, #tpu.memory_space<vmem_shared>>) target(%dma_start3A_42 : memref<640xf32, #tpu.memory_space<hbm>>) target_semaphore(%run_scoped3A : memref<!tpu.dma_semaphore, #tpu.memory_space<semaphore_mem>>)
      %dma_wait3A = tpu.memref_slice %arg3[%arg0, %mul3A_40] : memref<2x10240xf32, #tpu.memory_space<hbm>> -> memref<1x640xf32, #tpu.memory_space<hbm>>
      %dma_wait3A_44 = tpu.memref_squeeze %dma_wait3A : memref<1x640xf32, #tpu.memory_space<hbm>> -> memref<640xf32, #tpu.memory_space<hbm>>
      %dma_wait3A_45 = tpu.memref_slice %arg8[%mul3A_38] : memref<10240xf32, #tpu.memory_space<vmem_shared>> -> memref<640xf32, #tpu.memory_space<vmem_shared>>
      tpu.wait_dma2 semaphore(%run_scoped3A : memref<!tpu.dma_semaphore, #tpu.memory_space<semaphore_mem>>) src(%dma_wait3A_45 : memref<640xf32, #tpu.memory_space<vmem_shared>>) dst(%dma_wait3A_44 : memref<640xf32, #tpu.memory_space<hbm>>)
      tpu.yield
    }) : () -> ()
    return
  }
}

#map = affine_map<(d0, d1) -> (0, 0)>
#map1 = affine_map<(d0, d1) -> (0)>
#map2 = affine_map<(d0, d1) -> (0, 0, 0)>
module attributes {stable_mosaic.version = 14 : i64} {
  func.func @k(%arg0: i32, %arg1: i32, %arg2: memref<10240x128xf32, #tpu.memory_space<hbm>>, %arg3: memref<327680xi32, #tpu.memory_space<hbm>>, %arg4: memref<327680xi32, #tpu.memory_space<hbm>>, %arg5: memref<2x10240x128xf32, #tpu.memory_space<hbm>>, %arg6: memref<128xi32, #tpu.memory_space<vmem>>, %arg7: memref<128xi32, #tpu.memory_space<vmem>>, %arg8: memref<128xi32, #tpu.memory_space<vmem>>, %arg9: memref<128xi32, #tpu.memory_space<vmem>>, %arg10: memref<2x128x128xf32, #tpu.memory_space<vmem>>, %arg11: memref<10240x128xf32, #tpu.memory_space<vmem_shared>>, %arg12: memref<2x!tpu.dma_semaphore, #tpu.memory_space<semaphore_mem>>, %arg13: memref<2x!tpu.dma_semaphore, #tpu.memory_space<semaphore_mem>>) attributes {dimension_semantics = [#tpu.dimension_semantics<core_parallel>, #tpu.dimension_semantics<subcore_parallel>], iteration_bounds = array<i64: 2, 16>, scalar_prefetch = 0 : i64, scratch_operands = 8 : i64, tpu.core_type = #tpu.core_type<sc_vector_subcore>, window_params = [{transform_indices = #map}, {transform_indices = #map1}, {transform_indices = #map1}, {transform_indices = #map2}]} {
    %mul3A = arith.constant 16 : i32
    %mul3A_0 = arith.muli %arg0, %mul3A : i32
    %add3A = arith.addi %mul3A_0, %arg1 : i32
    %mul3A_1 = arith.constant 10240 : i32
    %mul3A_2 = arith.muli %add3A, %mul3A_1 : i32
    %eq3A = arith.constant 0 : i32
    %eq3A_3 = arith.cmpi eq, %arg0, %eq3A : i32
    %convert_element_type3A = arith.extui %eq3A_3 : i1 to i32
    %cond3A = arith.constant 0 : i32
    %cond3A_4 = arith.cmpi ne, %convert_element_type3A, %cond3A : i32
    scf.if %cond3A_4 {
      %mul3A_68 = arith.constant 640 : i32
      %mul3A_69 = arith.muli %arg1, %mul3A_68 : i32
      %mul3A_70 = arith.constant 640 : i32
      %mul3A_71 = arith.muli %arg1, %mul3A_70 : i32
      "tpu.region"() ({
        %run_scoped3A = tpu.sem_alloc : memref<!tpu.dma_semaphore, #tpu.memory_space<semaphore_mem>>
        %dma_start3A_72 = arith.constant 0 : i32
        %dma_start3A_73 = tpu.memref_slice %arg11[%mul3A_71, %dma_start3A_72] : memref<10240x128xf32, #tpu.memory_space<vmem_shared>> -> memref<640x128xf32, #tpu.memory_space<vmem_shared>>
        %dma_start3A_74 = arith.constant 0 : i32
        %dma_start3A_75 = tpu.memref_slice %arg2[%mul3A_69, %dma_start3A_74] : memref<10240x128xf32, #tpu.memory_space<hbm>> -> memref<640x128xf32, #tpu.memory_space<hbm>>
        tpu.enqueue_dma source(%dma_start3A_75 : memref<640x128xf32, #tpu.memory_space<hbm>>) target(%dma_start3A_73 : memref<640x128xf32, #tpu.memory_space<vmem_shared>>) target_semaphore(%run_scoped3A : memref<!tpu.dma_semaphore, #tpu.memory_space<semaphore_mem>>)
        %dma_wait3A_76 = arith.constant 0 : i32
        %dma_wait3A_77 = tpu.memref_slice %arg11[%mul3A_71, %dma_wait3A_76] : memref<10240x128xf32, #tpu.memory_space<vmem_shared>> -> memref<640x128xf32, #tpu.memory_space<vmem_shared>>
        %dma_wait3A_78 = arith.constant 0 : i32
        %dma_wait3A_79 = tpu.memref_slice %arg2[%mul3A_69, %dma_wait3A_78] : memref<10240x128xf32, #tpu.memory_space<hbm>> -> memref<640x128xf32, #tpu.memory_space<hbm>>
        tpu.wait_dma2 semaphore(%run_scoped3A : memref<!tpu.dma_semaphore, #tpu.memory_space<semaphore_mem>>) src(%dma_wait3A_79 : memref<640x128xf32, #tpu.memory_space<hbm>>) dst(%dma_wait3A_77 : memref<640x128xf32, #tpu.memory_space<vmem_shared>>)
        tpu.yield
      }) : () -> ()
    } else {
    }
    %eq3A_5 = arith.constant 1 : i32
    %eq3A_6 = arith.cmpi eq, %arg0, %eq3A_5 : i32
    %convert_element_type3A_7 = arith.extui %eq3A_6 : i1 to i32
    %cond3A_8 = arith.constant 0 : i32
    %cond3A_9 = arith.cmpi ne, %convert_element_type3A_7, %cond3A_8 : i32
    scf.if %cond3A_9 {
      %scan3A_68 = arith.constant 0 : i32
      %scan3A_69 = arith.constant 0 : i32
      %scan3A_70 = arith.constant 128 : i32
      %scan3A_71 = arith.addi %scan3A_69, %scan3A_70 : i32
      %scan3A_72 = arith.constant 1 : i32
      %scan3A_73 = scf.for %scan3A_99 = %scan3A_69 to %scan3A_71 step %scan3A_72 iter_args(%scan3A_100 = %scan3A_68) -> (i32)  : i32 {
        %broadcast_in_dim3A = arith.constant 0.000000e+00 : f32
        %broadcast_in_dim3A_101 = vector.broadcast %broadcast_in_dim3A : f32 to vector<16xf32>
        %swap3A = arith.constant 0 : i32
        %swap3A_102 = arith.index_cast %swap3A : i32 to index
        %swap3A_103 = arith.index_cast %scan3A_99 : i32 to index
        %swap3A_104 = arith.constant 0 : index
        %swap3A_105 = tpu.vector_load %arg10[%swap3A_102, %swap3A_103, %swap3A_104] {strides = array<i32>} : memref<2x128x128xf32, #tpu.memory_space<vmem>>, vector<1x1x16xf32>,
        %swap3A_106 = vector.shape_cast %swap3A_105 : vector<1x1x16xf32> to vector<16xf32>
        %swap3A_107 = vector.shape_cast %broadcast_in_dim3A_101 : vector<16xf32> to vector<1x1x16xf32>
        tpu.vector_store %arg10[%swap3A_102, %swap3A_103, %swap3A_104], %swap3A_107 {strides = array<i32>} : memref<2x128x128xf32, #tpu.memory_space<vmem>>, vector<1x1x16xf32>,
        %broadcast_in_dim3A_108 = arith.constant 0.000000e+00 : f32
        %broadcast_in_dim3A_109 = vector.broadcast %broadcast_in_dim3A_108 : f32 to vector<16xf32>
        %swap3A_110 = arith.constant 0 : i32
        %swap3A_111 = arith.index_cast %swap3A_110 : i32 to index
        %swap3A_112 = arith.index_cast %scan3A_99 : i32 to index
        %swap3A_113 = arith.constant 16 : index
        %swap3A_114 = tpu.vector_load %arg10[%swap3A_111, %swap3A_112, %swap3A_113] {strides = array<i32>} : memref<2x128x128xf32, #tpu.memory_space<vmem>>, vector<1x1x16xf32>,
        %swap3A_115 = vector.shape_cast %swap3A_114 : vector<1x1x16xf32> to vector<16xf32>
        %swap3A_116 = vector.shape_cast %broadcast_in_dim3A_109 : vector<16xf32> to vector<1x1x16xf32>
        tpu.vector_store %arg10[%swap3A_111, %swap3A_112, %swap3A_113], %swap3A_116 {strides = array<i32>} : memref<2x128x128xf32, #tpu.memory_space<vmem>>, vector<1x1x16xf32>,
        %broadcast_in_dim3A_117 = arith.constant 0.000000e+00 : f32
        %broadcast_in_dim3A_118 = vector.broadcast %broadcast_in_dim3A_117 : f32 to vector<16xf32>
        %swap3A_119 = arith.constant 0 : i32
        %swap3A_120 = arith.index_cast %swap3A_119 : i32 to index
        %swap3A_121 = arith.index_cast %scan3A_99 : i32 to index
        %swap3A_122 = arith.constant 32 : index
        %swap3A_123 = tpu.vector_load %arg10[%swap3A_120, %swap3A_121, %swap3A_122] {strides = array<i32>} : memref<2x128x128xf32, #tpu.memory_space<vmem>>, vector<1x1x16xf32>,
        %swap3A_124 = vector.shape_cast %swap3A_123 : vector<1x1x16xf32> to vector<16xf32>
        %swap3A_125 = vector.shape_cast %broadcast_in_dim3A_118 : vector<16xf32> to vector<1x1x16xf32>
        tpu.vector_store %arg10[%swap3A_120, %swap3A_121, %swap3A_122], %swap3A_125 {strides = array<i32>} : memref<2x128x128xf32, #tpu.memory_space<vmem>>, vector<1x1x16xf32>,
        %broadcast_in_dim3A_126 = arith.constant 0.000000e+00 : f32
        %broadcast_in_dim3A_127 = vector.broadcast %broadcast_in_dim3A_126 : f32 to vector<16xf32>
        %swap3A_128 = arith.constant 0 : i32
        %swap3A_129 = arith.index_cast %swap3A_128 : i32 to index
        %swap3A_130 = arith.index_cast %scan3A_99 : i32 to index
        %swap3A_131 = arith.constant 48 : index
        %swap3A_132 = tpu.vector_load %arg10[%swap3A_129, %swap3A_130, %swap3A_131] {strides = array<i32>} : memref<2x128x128xf32, #tpu.memory_space<vmem>>, vector<1x1x16xf32>,
        %swap3A_133 = vector.shape_cast %swap3A_132 : vector<1x1x16xf32> to vector<16xf32>
        %swap3A_134 = vector.shape_cast %broadcast_in_dim3A_127 : vector<16xf32> to vector<1x1x16xf32>
        tpu.vector_store %arg10[%swap3A_129, %swap3A_130, %swap3A_131], %swap3A_134 {strides = array<i32>} : memref<2x128x128xf32, #tpu.memory_space<vmem>>, vector<1x1x16xf32>,
        %broadcast_in_dim3A_135 = arith.constant 0.000000e+00 : f32
        %broadcast_in_dim3A_136 = vector.broadcast %broadcast_in_dim3A_135 : f32 to vector<16xf32>
        %swap3A_137 = arith.constant 0 : i32
        %swap3A_138 = arith.index_cast %swap3A_137 : i32 to index
        %swap3A_139 = arith.index_cast %scan3A_99 : i32 to index
        %swap3A_140 = arith.constant 64 : index
        %swap3A_141 = tpu.vector_load %arg10[%swap3A_138, %swap3A_139, %swap3A_140] {strides = array<i32>} : memref<2x128x128xf32, #tpu.memory_space<vmem>>, vector<1x1x16xf32>,
        %swap3A_142 = vector.shape_cast %swap3A_141 : vector<1x1x16xf32> to vector<16xf32>
        %swap3A_143 = vector.shape_cast %broadcast_in_dim3A_136 : vector<16xf32> to vector<1x1x16xf32>
        tpu.vector_store %arg10[%swap3A_138, %swap3A_139, %swap3A_140], %swap3A_143 {strides = array<i32>} : memref<2x128x128xf32, #tpu.memory_space<vmem>>, vector<1x1x16xf32>,
        %broadcast_in_dim3A_144 = arith.constant 0.000000e+00 : f32
        %broadcast_in_dim3A_145 = vector.broadcast %broadcast_in_dim3A_144 : f32 to vector<16xf32>
        %swap3A_146 = arith.constant 0 : i32
        %swap3A_147 = arith.index_cast %swap3A_146 : i32 to index
        %swap3A_148 = arith.index_cast %scan3A_99 : i32 to index
        %swap3A_149 = arith.constant 80 : index
        %swap3A_150 = tpu.vector_load %arg10[%swap3A_147, %swap3A_148, %swap3A_149] {strides = array<i32>} : memref<2x128x128xf32, #tpu.memory_space<vmem>>, vector<1x1x16xf32>,
        %swap3A_151 = vector.shape_cast %swap3A_150 : vector<1x1x16xf32> to vector<16xf32>
        %swap3A_152 = vector.shape_cast %broadcast_in_dim3A_145 : vector<16xf32> to vector<1x1x16xf32>
        tpu.vector_store %arg10[%swap3A_147, %swap3A_148, %swap3A_149], %swap3A_152 {strides = array<i32>} : memref<2x128x128xf32, #tpu.memory_space<vmem>>, vector<1x1x16xf32>,
        %broadcast_in_dim3A_153 = arith.constant 0.000000e+00 : f32
        %broadcast_in_dim3A_154 = vector.broadcast %broadcast_in_dim3A_153 : f32 to vector<16xf32>
        %swap3A_155 = arith.constant 0 : i32
        %swap3A_156 = arith.index_cast %swap3A_155 : i32 to index
        %swap3A_157 = arith.index_cast %scan3A_99 : i32 to index
        %swap3A_158 = arith.constant 96 : index
        %swap3A_159 = tpu.vector_load %arg10[%swap3A_156, %swap3A_157, %swap3A_158] {strides = array<i32>} : memref<2x128x128xf32, #tpu.memory_space<vmem>>, vector<1x1x16xf32>,
        %swap3A_160 = vector.shape_cast %swap3A_159 : vector<1x1x16xf32> to vector<16xf32>
        %swap3A_161 = vector.shape_cast %broadcast_in_dim3A_154 : vector<16xf32> to vector<1x1x16xf32>
        tpu.vector_store %arg10[%swap3A_156, %swap3A_157, %swap3A_158], %swap3A_161 {strides = array<i32>} : memref<2x128x128xf32, #tpu.memory_space<vmem>>, vector<1x1x16xf32>,
        %broadcast_in_dim3A_162 = arith.constant 0.000000e+00 : f32
        %broadcast_in_dim3A_163 = vector.broadcast %broadcast_in_dim3A_162 : f32 to vector<16xf32>
        %swap3A_164 = arith.constant 0 : i32
        %swap3A_165 = arith.index_cast %swap3A_164 : i32 to index
        %swap3A_166 = arith.index_cast %scan3A_99 : i32 to index
        %swap3A_167 = arith.constant 112 : index
        %swap3A_168 = tpu.vector_load %arg10[%swap3A_165, %swap3A_166, %swap3A_167] {strides = array<i32>} : memref<2x128x128xf32, #tpu.memory_space<vmem>>, vector<1x1x16xf32>,
        %swap3A_169 = vector.shape_cast %swap3A_168 : vector<1x1x16xf32> to vector<16xf32>
        %swap3A_170 = vector.shape_cast %broadcast_in_dim3A_163 : vector<16xf32> to vector<1x1x16xf32>
        tpu.vector_store %arg10[%swap3A_165, %swap3A_166, %swap3A_167], %swap3A_170 {strides = array<i32>} : memref<2x128x128xf32, #tpu.memory_space<vmem>>, vector<1x1x16xf32>,
        %scan3A_171 = arith.constant 0 : i32
        scf.yield %scan3A_171 : i32
      }
      %scan3A_74 = arith.constant 128 : i32
      %mul3A_75 = arith.constant 640 : i32
      %mul3A_76 = arith.muli %arg1, %mul3A_75 : i32
      %add3A_77 = arith.constant 0 : i32
      %add3A_78 = arith.addi %mul3A_76, %add3A_77 : i32
      %run_scoped3A = arith.constant 0 : i32
      "tpu.region"() ({
        %run_scoped3A_99 = tpu.sem_alloc : memref<!tpu.dma_semaphore, #tpu.memory_space<semaphore_mem>>
        %dma_start3A_100 = arith.constant 0 : i32
        %dma_start3A_101 = arith.constant 0 : i32
        %dma_start3A_102 = tpu.memref_slice %arg10[%run_scoped3A, %dma_start3A_100, %dma_start3A_101] : memref<2x128x128xf32, #tpu.memory_space<vmem>> -> memref<1x128x128xf32, #tpu.memory_space<vmem>>
        %dma_start3A_103 = tpu.memref_squeeze %dma_start3A_102 : memref<1x128x128xf32, #tpu.memory_space<vmem>> -> memref<128x128xf32, #tpu.memory_space<vmem>>
        %dma_start3A_104 = arith.constant 0 : i32
        %dma_start3A_105 = tpu.memref_slice %arg11[%add3A_78, %dma_start3A_104] : memref<10240x128xf32, #tpu.memory_space<vmem_shared>> -> memref<128x128xf32, #tpu.memory_space<vmem_shared>>
        %dma_start3A_106 = arith.constant 0 : i32
        %dma_start3A_107 = tpu.memref_slice %arg11[%add3A_78, %dma_start3A_106] : memref<10240x128xf32, #tpu.memory_space<vmem_shared>> -> memref<128x128xf32, #tpu.memory_space<vmem_shared>>
        %dma_start3A_108 = arith.constant 0 : i32
        %dma_start3A_109 = arith.constant 0 : i32
        %dma_start3A_110 = tpu.memref_slice %arg10[%run_scoped3A, %dma_start3A_108, %dma_start3A_109] : memref<2x128x128xf32, #tpu.memory_space<vmem>> -> memref<1x128x128xf32, #tpu.memory_space<vmem>>
        %dma_start3A_111 = tpu.memref_squeeze %dma_start3A_110 : memref<1x128x128xf32, #tpu.memory_space<vmem>> -> memref<128x128xf32, #tpu.memory_space<vmem>>
        tpu.enqueue_dma source(%dma_start3A_111 : memref<128x128xf32, #tpu.memory_space<vmem>>) target(%dma_start3A_107 : memref<128x128xf32, #tpu.memory_space<vmem_shared>>) target_semaphore(%run_scoped3A_99 : memref<!tpu.dma_semaphore, #tpu.memory_space<semaphore_mem>>)
        %dma_wait3A_112 = arith.constant 0 : i32
        %dma_wait3A_113 = arith.constant 0 : i32
        %dma_wait3A_114 = tpu.memref_slice %arg10[%run_scoped3A, %dma_wait3A_112, %dma_wait3A_113] : memref<2x128x128xf32, #tpu.memory_space<vmem>> -> memref<1x128x128xf32, #tpu.memory_space<vmem>>
        %dma_wait3A_115 = tpu.memref_squeeze %dma_wait3A_114 : memref<1x128x128xf32, #tpu.memory_space<vmem>> -> memref<128x128xf32, #tpu.memory_space<vmem>>
        %dma_wait3A_116 = arith.constant 0 : i32
        %dma_wait3A_117 = tpu.memref_slice %arg11[%add3A_78, %dma_wait3A_116] : memref<10240x128xf32, #tpu.memory_space<vmem_shared>> -> memref<128x128xf32, #tpu.memory_space<vmem_shared>>
        %dma_wait3A_118 = arith.constant 0 : i32
        %dma_wait3A_119 = tpu.memref_slice %arg11[%add3A_78, %dma_wait3A_118] : memref<10240x128xf32, #tpu.memory_space<vmem_shared>> -> memref<128x128xf32, #tpu.memory_space<vmem_shared>>
        %dma_wait3A_120 = arith.constant 0 : i32
        %dma_wait3A_121 = arith.constant 0 : i32
        %dma_wait3A_122 = tpu.memref_slice %arg10[%run_scoped3A, %dma_wait3A_120, %dma_wait3A_121] : memref<2x128x128xf32, #tpu.memory_space<vmem>> -> memref<1x128x128xf32, #tpu.memory_space<vmem>>
        %dma_wait3A_123 = tpu.memref_squeeze %dma_wait3A_122 : memref<1x128x128xf32, #tpu.memory_space<vmem>> -> memref<128x128xf32, #tpu.memory_space<vmem>>
        tpu.wait_dma2 semaphore(%run_scoped3A_99 : memref<!tpu.dma_semaphore, #tpu.memory_space<semaphore_mem>>) src(%dma_wait3A_123 : memref<128x128xf32, #tpu.memory_space<vmem>>) dst(%dma_wait3A_119 : memref<128x128xf32, #tpu.memory_space<vmem_shared>>)
        tpu.yield
      }) : () -> ()
      %mul3A_79 = arith.constant 640 : i32
      %mul3A_80 = arith.muli %arg1, %mul3A_79 : i32
      %add3A_81 = arith.constant 128 : i32
      %add3A_82 = arith.addi %mul3A_80, %add3A_81 : i32
      %run_scoped3A_83 = arith.constant 0 : i32
      "tpu.region"() ({
        %run_scoped3A_99 = tpu.sem_alloc : memref<!tpu.dma_semaphore, #tpu.memory_space<semaphore_mem>>
        %dma_start3A_100 = arith.constant 0 : i32
        %dma_start3A_101 = arith.constant 0 : i32
        %dma_start3A_102 = tpu.memref_slice %arg10[%run_scoped3A_83, %dma_start3A_100, %dma_start3A_101] : memref<2x128x128xf32, #tpu.memory_space<vmem>> -> memref<1x128x128xf32, #tpu.memory_space<vmem>>
        %dma_start3A_103 = tpu.memref_squeeze %dma_start3A_102 : memref<1x128x128xf32, #tpu.memory_space<vmem>> -> memref<128x128xf32, #tpu.memory_space<vmem>>
        %dma_start3A_104 = arith.constant 0 : i32
        %dma_start3A_105 = tpu.memref_slice %arg11[%add3A_82, %dma_start3A_104] : memref<10240x128xf32, #tpu.memory_space<vmem_shared>> -> memref<128x128xf32, #tpu.memory_space<vmem_shared>>
        %dma_start3A_106 = arith.constant 0 : i32
        %dma_start3A_107 = tpu.memref_slice %arg11[%add3A_82, %dma_start3A_106] : memref<10240x128xf32, #tpu.memory_space<vmem_shared>> -> memref<128x128xf32, #tpu.memory_space<vmem_shared>>
        %dma_start3A_108 = arith.constant 0 : i32
        %dma_start3A_109 = arith.constant 0 : i32
        %dma_start3A_110 = tpu.memref_slice %arg10[%run_scoped3A_83, %dma_start3A_108, %dma_start3A_109] : memref<2x128x128xf32, #tpu.memory_space<vmem>> -> memref<1x128x128xf32, #tpu.memory_space<vmem>>
        %dma_start3A_111 = tpu.memref_squeeze %dma_start3A_110 : memref<1x128x128xf32, #tpu.memory_space<vmem>> -> memref<128x128xf32, #tpu.memory_space<vmem>>
        tpu.enqueue_dma source(%dma_start3A_111 : memref<128x128xf32, #tpu.memory_space<vmem>>) target(%dma_start3A_107 : memref<128x128xf32, #tpu.memory_space<vmem_shared>>) target_semaphore(%run_scoped3A_99 : memref<!tpu.dma_semaphore, #tpu.memory_space<semaphore_mem>>)
        %dma_wait3A_112 = arith.constant 0 : i32
        %dma_wait3A_113 = arith.constant 0 : i32
        %dma_wait3A_114 = tpu.memref_slice %arg10[%run_scoped3A_83, %dma_wait3A_112, %dma_wait3A_113] : memref<2x128x128xf32, #tpu.memory_space<vmem>> -> memref<1x128x128xf32, #tpu.memory_space<vmem>>
        %dma_wait3A_115 = tpu.memref_squeeze %dma_wait3A_114 : memref<1x128x128xf32, #tpu.memory_space<vmem>> -> memref<128x128xf32, #tpu.memory_space<vmem>>
        %dma_wait3A_116 = arith.constant 0 : i32
        %dma_wait3A_117 = tpu.memref_slice %arg11[%add3A_82, %dma_wait3A_116] : memref<10240x128xf32, #tpu.memory_space<vmem_shared>> -> memref<128x128xf32, #tpu.memory_space<vmem_shared>>
        %dma_wait3A_118 = arith.constant 0 : i32
        %dma_wait3A_119 = tpu.memref_slice %arg11[%add3A_82, %dma_wait3A_118] : memref<10240x128xf32, #tpu.memory_space<vmem_shared>> -> memref<128x128xf32, #tpu.memory_space<vmem_shared>>
        %dma_wait3A_120 = arith.constant 0 : i32
        %dma_wait3A_121 = arith.constant 0 : i32
        %dma_wait3A_122 = tpu.memref_slice %arg10[%run_scoped3A_83, %dma_wait3A_120, %dma_wait3A_121] : memref<2x128x128xf32, #tpu.memory_space<vmem>> -> memref<1x128x128xf32, #tpu.memory_space<vmem>>
        %dma_wait3A_123 = tpu.memref_squeeze %dma_wait3A_122 : memref<1x128x128xf32, #tpu.memory_space<vmem>> -> memref<128x128xf32, #tpu.memory_space<vmem>>
        tpu.wait_dma2 semaphore(%run_scoped3A_99 : memref<!tpu.dma_semaphore, #tpu.memory_space<semaphore_mem>>) src(%dma_wait3A_123 : memref<128x128xf32, #tpu.memory_space<vmem>>) dst(%dma_wait3A_119 : memref<128x128xf32, #tpu.memory_space<vmem_shared>>)
        tpu.yield
      }) : () -> ()
      %mul3A_84 = arith.constant 640 : i32
      %mul3A_85 = arith.muli %arg1, %mul3A_84 : i32
      %add3A_86 = arith.constant 256 : i32
      %add3A_87 = arith.addi %mul3A_85, %add3A_86 : i32
      %run_scoped3A_88 = arith.constant 0 : i32
      "tpu.region"() ({
        %run_scoped3A_99 = tpu.sem_alloc : memref<!tpu.dma_semaphore, #tpu.memory_space<semaphore_mem>>
        %dma_start3A_100 = arith.constant 0 : i32
        %dma_start3A_101 = arith.constant 0 : i32
        %dma_start3A_102 = tpu.memref_slice %arg10[%run_scoped3A_88, %dma_start3A_100, %dma_start3A_101] : memref<2x128x128xf32, #tpu.memory_space<vmem>> -> memref<1x128x128xf32, #tpu.memory_space<vmem>>
        %dma_start3A_103 = tpu.memref_squeeze %dma_start3A_102 : memref<1x128x128xf32, #tpu.memory_space<vmem>> -> memref<128x128xf32, #tpu.memory_space<vmem>>
        %dma_start3A_104 = arith.constant 0 : i32
        %dma_start3A_105 = tpu.memref_slice %arg11[%add3A_87, %dma_start3A_104] : memref<10240x128xf32, #tpu.memory_space<vmem_shared>> -> memref<128x128xf32, #tpu.memory_space<vmem_shared>>
        %dma_start3A_106 = arith.constant 0 : i32
        %dma_start3A_107 = tpu.memref_slice %arg11[%add3A_87, %dma_start3A_106] : memref<10240x128xf32, #tpu.memory_space<vmem_shared>> -> memref<128x128xf32, #tpu.memory_space<vmem_shared>>
        %dma_start3A_108 = arith.constant 0 : i32
        %dma_start3A_109 = arith.constant 0 : i32
        %dma_start3A_110 = tpu.memref_slice %arg10[%run_scoped3A_88, %dma_start3A_108, %dma_start3A_109] : memref<2x128x128xf32, #tpu.memory_space<vmem>> -> memref<1x128x128xf32, #tpu.memory_space<vmem>>
        %dma_start3A_111 = tpu.memref_squeeze %dma_start3A_110 : memref<1x128x128xf32, #tpu.memory_space<vmem>> -> memref<128x128xf32, #tpu.memory_space<vmem>>
        tpu.enqueue_dma source(%dma_start3A_111 : memref<128x128xf32, #tpu.memory_space<vmem>>) target(%dma_start3A_107 : memref<128x128xf32, #tpu.memory_space<vmem_shared>>) target_semaphore(%run_scoped3A_99 : memref<!tpu.dma_semaphore, #tpu.memory_space<semaphore_mem>>)
        %dma_wait3A_112 = arith.constant 0 : i32
        %dma_wait3A_113 = arith.constant 0 : i32
        %dma_wait3A_114 = tpu.memref_slice %arg10[%run_scoped3A_88, %dma_wait3A_112, %dma_wait3A_113] : memref<2x128x128xf32, #tpu.memory_space<vmem>> -> memref<1x128x128xf32, #tpu.memory_space<vmem>>
        %dma_wait3A_115 = tpu.memref_squeeze %dma_wait3A_114 : memref<1x128x128xf32, #tpu.memory_space<vmem>> -> memref<128x128xf32, #tpu.memory_space<vmem>>
        %dma_wait3A_116 = arith.constant 0 : i32
        %dma_wait3A_117 = tpu.memref_slice %arg11[%add3A_87, %dma_wait3A_116] : memref<10240x128xf32, #tpu.memory_space<vmem_shared>> -> memref<128x128xf32, #tpu.memory_space<vmem_shared>>
        %dma_wait3A_118 = arith.constant 0 : i32
        %dma_wait3A_119 = tpu.memref_slice %arg11[%add3A_87, %dma_wait3A_118] : memref<10240x128xf32, #tpu.memory_space<vmem_shared>> -> memref<128x128xf32, #tpu.memory_space<vmem_shared>>
        %dma_wait3A_120 = arith.constant 0 : i32
        %dma_wait3A_121 = arith.constant 0 : i32
        %dma_wait3A_122 = tpu.memref_slice %arg10[%run_scoped3A_88, %dma_wait3A_120, %dma_wait3A_121] : memref<2x128x128xf32, #tpu.memory_space<vmem>> -> memref<1x128x128xf32, #tpu.memory_space<vmem>>
        %dma_wait3A_123 = tpu.memref_squeeze %dma_wait3A_122 : memref<1x128x128xf32, #tpu.memory_space<vmem>> -> memref<128x128xf32, #tpu.memory_space<vmem>>
        tpu.wait_dma2 semaphore(%run_scoped3A_99 : memref<!tpu.dma_semaphore, #tpu.memory_space<semaphore_mem>>) src(%dma_wait3A_123 : memref<128x128xf32, #tpu.memory_space<vmem>>) dst(%dma_wait3A_119 : memref<128x128xf32, #tpu.memory_space<vmem_shared>>)
        tpu.yield
      }) : () -> ()
      %mul3A_89 = arith.constant 640 : i32
      %mul3A_90 = arith.muli %arg1, %mul3A_89 : i32
      %add3A_91 = arith.constant 384 : i32
      %add3A_92 = arith.addi %mul3A_90, %add3A_91 : i32
      %run_scoped3A_93 = arith.constant 0 : i32
      "tpu.region"() ({
        %run_scoped3A_99 = tpu.sem_alloc : memref<!tpu.dma_semaphore, #tpu.memory_space<semaphore_mem>>
        %dma_start3A_100 = arith.constant 0 : i32
        %dma_start3A_101 = arith.constant 0 : i32
        %dma_start3A_102 = tpu.memref_slice %arg10[%run_scoped3A_93, %dma_start3A_100, %dma_start3A_101] : memref<2x128x128xf32, #tpu.memory_space<vmem>> -> memref<1x128x128xf32, #tpu.memory_space<vmem>>
        %dma_start3A_103 = tpu.memref_squeeze %dma_start3A_102 : memref<1x128x128xf32, #tpu.memory_space<vmem>> -> memref<128x128xf32, #tpu.memory_space<vmem>>
        %dma_start3A_104 = arith.constant 0 : i32
        %dma_start3A_105 = tpu.memref_slice %arg11[%add3A_92, %dma_start3A_104] : memref<10240x128xf32, #tpu.memory_space<vmem_shared>> -> memref<128x128xf32, #tpu.memory_space<vmem_shared>>
        %dma_start3A_106 = arith.constant 0 : i32
        %dma_start3A_107 = tpu.memref_slice %arg11[%add3A_92, %dma_start3A_106] : memref<10240x128xf32, #tpu.memory_space<vmem_shared>> -> memref<128x128xf32, #tpu.memory_space<vmem_shared>>
        %dma_start3A_108 = arith.constant 0 : i32
        %dma_start3A_109 = arith.constant 0 : i32
        %dma_start3A_110 = tpu.memref_slice %arg10[%run_scoped3A_93, %dma_start3A_108, %dma_start3A_109] : memref<2x128x128xf32, #tpu.memory_space<vmem>> -> memref<1x128x128xf32, #tpu.memory_space<vmem>>
        %dma_start3A_111 = tpu.memref_squeeze %dma_start3A_110 : memref<1x128x128xf32, #tpu.memory_space<vmem>> -> memref<128x128xf32, #tpu.memory_space<vmem>>
        tpu.enqueue_dma source(%dma_start3A_111 : memref<128x128xf32, #tpu.memory_space<vmem>>) target(%dma_start3A_107 : memref<128x128xf32, #tpu.memory_space<vmem_shared>>) target_semaphore(%run_scoped3A_99 : memref<!tpu.dma_semaphore, #tpu.memory_space<semaphore_mem>>)
        %dma_wait3A_112 = arith.constant 0 : i32
        %dma_wait3A_113 = arith.constant 0 : i32
        %dma_wait3A_114 = tpu.memref_slice %arg10[%run_scoped3A_93, %dma_wait3A_112, %dma_wait3A_113] : memref<2x128x128xf32, #tpu.memory_space<vmem>> -> memref<1x128x128xf32, #tpu.memory_space<vmem>>
        %dma_wait3A_115 = tpu.memref_squeeze %dma_wait3A_114 : memref<1x128x128xf32, #tpu.memory_space<vmem>> -> memref<128x128xf32, #tpu.memory_space<vmem>>
        %dma_wait3A_116 = arith.constant 0 : i32
        %dma_wait3A_117 = tpu.memref_slice %arg11[%add3A_92, %dma_wait3A_116] : memref<10240x128xf32, #tpu.memory_space<vmem_shared>> -> memref<128x128xf32, #tpu.memory_space<vmem_shared>>
        %dma_wait3A_118 = arith.constant 0 : i32
        %dma_wait3A_119 = tpu.memref_slice %arg11[%add3A_92, %dma_wait3A_118] : memref<10240x128xf32, #tpu.memory_space<vmem_shared>> -> memref<128x128xf32, #tpu.memory_space<vmem_shared>>
        %dma_wait3A_120 = arith.constant 0 : i32
        %dma_wait3A_121 = arith.constant 0 : i32
        %dma_wait3A_122 = tpu.memref_slice %arg10[%run_scoped3A_93, %dma_wait3A_120, %dma_wait3A_121] : memref<2x128x128xf32, #tpu.memory_space<vmem>> -> memref<1x128x128xf32, #tpu.memory_space<vmem>>
        %dma_wait3A_123 = tpu.memref_squeeze %dma_wait3A_122 : memref<1x128x128xf32, #tpu.memory_space<vmem>> -> memref<128x128xf32, #tpu.memory_space<vmem>>
        tpu.wait_dma2 semaphore(%run_scoped3A_99 : memref<!tpu.dma_semaphore, #tpu.memory_space<semaphore_mem>>) src(%dma_wait3A_123 : memref<128x128xf32, #tpu.memory_space<vmem>>) dst(%dma_wait3A_119 : memref<128x128xf32, #tpu.memory_space<vmem_shared>>)
        tpu.yield
      }) : () -> ()
      %mul3A_94 = arith.constant 640 : i32
      %mul3A_95 = arith.muli %arg1, %mul3A_94 : i32
      %add3A_96 = arith.constant 512 : i32
      %add3A_97 = arith.addi %mul3A_95, %add3A_96 : i32
      %run_scoped3A_98 = arith.constant 0 : i32
      "tpu.region"() ({
        %run_scoped3A_99 = tpu.sem_alloc : memref<!tpu.dma_semaphore, #tpu.memory_space<semaphore_mem>>
        %dma_start3A_100 = arith.constant 0 : i32
        %dma_start3A_101 = arith.constant 0 : i32
        %dma_start3A_102 = tpu.memref_slice %arg10[%run_scoped3A_98, %dma_start3A_100, %dma_start3A_101] : memref<2x128x128xf32, #tpu.memory_space<vmem>> -> memref<1x128x128xf32, #tpu.memory_space<vmem>>
        %dma_start3A_103 = tpu.memref_squeeze %dma_start3A_102 : memref<1x128x128xf32, #tpu.memory_space<vmem>> -> memref<128x128xf32, #tpu.memory_space<vmem>>
        %dma_start3A_104 = arith.constant 0 : i32
        %dma_start3A_105 = tpu.memref_slice %arg11[%add3A_97, %dma_start3A_104] : memref<10240x128xf32, #tpu.memory_space<vmem_shared>> -> memref<128x128xf32, #tpu.memory_space<vmem_shared>>
        %dma_start3A_106 = arith.constant 0 : i32
        %dma_start3A_107 = tpu.memref_slice %arg11[%add3A_97, %dma_start3A_106] : memref<10240x128xf32, #tpu.memory_space<vmem_shared>> -> memref<128x128xf32, #tpu.memory_space<vmem_shared>>
        %dma_start3A_108 = arith.constant 0 : i32
        %dma_start3A_109 = arith.constant 0 : i32
        %dma_start3A_110 = tpu.memref_slice %arg10[%run_scoped3A_98, %dma_start3A_108, %dma_start3A_109] : memref<2x128x128xf32, #tpu.memory_space<vmem>> -> memref<1x128x128xf32, #tpu.memory_space<vmem>>
        %dma_start3A_111 = tpu.memref_squeeze %dma_start3A_110 : memref<1x128x128xf32, #tpu.memory_space<vmem>> -> memref<128x128xf32, #tpu.memory_space<vmem>>
        tpu.enqueue_dma source(%dma_start3A_111 : memref<128x128xf32, #tpu.memory_space<vmem>>) target(%dma_start3A_107 : memref<128x128xf32, #tpu.memory_space<vmem_shared>>) target_semaphore(%run_scoped3A_99 : memref<!tpu.dma_semaphore, #tpu.memory_space<semaphore_mem>>)
        %dma_wait3A_112 = arith.constant 0 : i32
        %dma_wait3A_113 = arith.constant 0 : i32
        %dma_wait3A_114 = tpu.memref_slice %arg10[%run_scoped3A_98, %dma_wait3A_112, %dma_wait3A_113] : memref<2x128x128xf32, #tpu.memory_space<vmem>> -> memref<1x128x128xf32, #tpu.memory_space<vmem>>
        %dma_wait3A_115 = tpu.memref_squeeze %dma_wait3A_114 : memref<1x128x128xf32, #tpu.memory_space<vmem>> -> memref<128x128xf32, #tpu.memory_space<vmem>>
        %dma_wait3A_116 = arith.constant 0 : i32
        %dma_wait3A_117 = tpu.memref_slice %arg11[%add3A_97, %dma_wait3A_116] : memref<10240x128xf32, #tpu.memory_space<vmem_shared>> -> memref<128x128xf32, #tpu.memory_space<vmem_shared>>
        %dma_wait3A_118 = arith.constant 0 : i32
        %dma_wait3A_119 = tpu.memref_slice %arg11[%add3A_97, %dma_wait3A_118] : memref<10240x128xf32, #tpu.memory_space<vmem_shared>> -> memref<128x128xf32, #tpu.memory_space<vmem_shared>>
        %dma_wait3A_120 = arith.constant 0 : i32
        %dma_wait3A_121 = arith.constant 0 : i32
        %dma_wait3A_122 = tpu.memref_slice %arg10[%run_scoped3A_98, %dma_wait3A_120, %dma_wait3A_121] : memref<2x128x128xf32, #tpu.memory_space<vmem>> -> memref<1x128x128xf32, #tpu.memory_space<vmem>>
        %dma_wait3A_123 = tpu.memref_squeeze %dma_wait3A_122 : memref<1x128x128xf32, #tpu.memory_space<vmem>> -> memref<128x128xf32, #tpu.memory_space<vmem>>
        tpu.wait_dma2 semaphore(%run_scoped3A_99 : memref<!tpu.dma_semaphore, #tpu.memory_space<semaphore_mem>>) src(%dma_wait3A_123 : memref<128x128xf32, #tpu.memory_space<vmem>>) dst(%dma_wait3A_119 : memref<128x128xf32, #tpu.memory_space<vmem_shared>>)
        tpu.yield
      }) : () -> ()
    } else {
    }
    %barrier3A = arith.constant 0 : index
    tpu.barrier barrier_id(%barrier3A)
    %dma_start3A = arith.constant 0 : i32
    %dma_start3A_10 = tpu.memref_slice %arg3[%mul3A_2] : memref<327680xi32, #tpu.memory_space<hbm>> -> memref<128xi32, #tpu.memory_space<hbm>>
    %dma_start3A_11 = tpu.memref_slice %arg13[%dma_start3A] : memref<2x!tpu.dma_semaphore, #tpu.memory_space<semaphore_mem>> -> memref<1x!tpu.dma_semaphore, #tpu.memory_space<semaphore_mem>>
    %dma_start3A_12 = tpu.memref_squeeze %dma_start3A_11 : memref<1x!tpu.dma_semaphore, #tpu.memory_space<semaphore_mem>> -> memref<!tpu.dma_semaphore, #tpu.memory_space<semaphore_mem>>
    %dma_start3A_13 = tpu.memref_slice %arg3[%mul3A_2] : memref<327680xi32, #tpu.memory_space<hbm>> -> memref<128xi32, #tpu.memory_space<hbm>>
    tpu.enqueue_dma source(%dma_start3A_13 : memref<128xi32, #tpu.memory_space<hbm>>) target(%arg6 : memref<128xi32, #tpu.memory_space<vmem>>) target_semaphore(%dma_start3A_12 : memref<!tpu.dma_semaphore, #tpu.memory_space<semaphore_mem>>)
    %dma_start3A_14 = arith.constant 0 : i32
    %dma_start3A_15 = tpu.memref_slice %arg4[%mul3A_2] : memref<327680xi32, #tpu.memory_space<hbm>> -> memref<128xi32, #tpu.memory_space<hbm>>
    %dma_start3A_16 = tpu.memref_slice %arg13[%dma_start3A_14] : memref<2x!tpu.dma_semaphore, #tpu.memory_space<semaphore_mem>> -> memref<1x!tpu.dma_semaphore, #tpu.memory_space<semaphore_mem>>
    %dma_start3A_17 = tpu.memref_squeeze %dma_start3A_16 : memref<1x!tpu.dma_semaphore, #tpu.memory_space<semaphore_mem>> -> memref<!tpu.dma_semaphore, #tpu.memory_space<semaphore_mem>>
    %dma_start3A_18 = tpu.memref_slice %arg4[%mul3A_2] : memref<327680xi32, #tpu.memory_space<hbm>> -> memref<128xi32, #tpu.memory_space<hbm>>
    tpu.enqueue_dma source(%dma_start3A_18 : memref<128xi32, #tpu.memory_space<hbm>>) target(%arg8 : memref<128xi32, #tpu.memory_space<vmem>>) target_semaphore(%dma_start3A_17 : memref<!tpu.dma_semaphore, #tpu.memory_space<semaphore_mem>>)
    %add3A_19 = arith.constant 128 : i32
    %add3A_20 = arith.addi %mul3A_2, %add3A_19 : i32
    %dma_start3A_21 = arith.constant 1 : i32
    %dma_start3A_22 = tpu.memref_slice %arg3[%add3A_20] : memref<327680xi32, #tpu.memory_space<hbm>> -> memref<128xi32, #tpu.memory_space<hbm>>
    %dma_start3A_23 = tpu.memref_slice %arg13[%dma_start3A_21] : memref<2x!tpu.dma_semaphore, #tpu.memory_space<semaphore_mem>> -> memref<1x!tpu.dma_semaphore, #tpu.memory_space<semaphore_mem>>
    %dma_start3A_24 = tpu.memref_squeeze %dma_start3A_23 : memref<1x!tpu.dma_semaphore, #tpu.memory_space<semaphore_mem>> -> memref<!tpu.dma_semaphore, #tpu.memory_space<semaphore_mem>>
    %dma_start3A_25 = tpu.memref_slice %arg3[%add3A_20] : memref<327680xi32, #tpu.memory_space<hbm>> -> memref<128xi32, #tpu.memory_space<hbm>>
    tpu.enqueue_dma source(%dma_start3A_25 : memref<128xi32, #tpu.memory_space<hbm>>) target(%arg7 : memref<128xi32, #tpu.memory_space<vmem>>) target_semaphore(%dma_start3A_24 : memref<!tpu.dma_semaphore, #tpu.memory_space<semaphore_mem>>)
    %add3A_26 = arith.constant 128 : i32
    %add3A_27 = arith.addi %mul3A_2, %add3A_26 : i32
    %dma_start3A_28 = arith.constant 1 : i32
    %dma_start3A_29 = tpu.memref_slice %arg4[%add3A_27] : memref<327680xi32, #tpu.memory_space<hbm>> -> memref<128xi32, #tpu.memory_space<hbm>>
    %dma_start3A_30 = tpu.memref_slice %arg13[%dma_start3A_28] : memref<2x!tpu.dma_semaphore, #tpu.memory_space<semaphore_mem>> -> memref<1x!tpu.dma_semaphore, #tpu.memory_space<semaphore_mem>>
    %dma_start3A_31 = tpu.memref_squeeze %dma_start3A_30 : memref<1x!tpu.dma_semaphore, #tpu.memory_space<semaphore_mem>> -> memref<!tpu.dma_semaphore, #tpu.memory_space<semaphore_mem>>
    %dma_start3A_32 = tpu.memref_slice %arg4[%add3A_27] : memref<327680xi32, #tpu.memory_space<hbm>> -> memref<128xi32, #tpu.memory_space<hbm>>
    tpu.enqueue_dma source(%dma_start3A_32 : memref<128xi32, #tpu.memory_space<hbm>>) target(%arg9 : memref<128xi32, #tpu.memory_space<vmem>>) target_semaphore(%dma_start3A_31 : memref<!tpu.dma_semaphore, #tpu.memory_space<semaphore_mem>>)
    %dma_wait3A = arith.constant 0 : i32
    %dma_wait3A_33 = arith.constant 0 : i32
    %dma_wait3A_34 = tpu.memref_slice %arg3[%dma_wait3A_33] : memref<327680xi32, #tpu.memory_space<hbm>> -> memref<128xi32, #tpu.memory_space<hbm>>
    %dma_wait3A_35 = tpu.memref_slice %arg13[%dma_wait3A] : memref<2x!tpu.dma_semaphore, #tpu.memory_space<semaphore_mem>> -> memref<1x!tpu.dma_semaphore, #tpu.memory_space<semaphore_mem>>
    %dma_wait3A_36 = tpu.memref_squeeze %dma_wait3A_35 : memref<1x!tpu.dma_semaphore, #tpu.memory_space<semaphore_mem>> -> memref<!tpu.dma_semaphore, #tpu.memory_space<semaphore_mem>>
    %dma_wait3A_37 = arith.constant 0 : i32
    %dma_wait3A_38 = tpu.memref_slice %arg3[%dma_wait3A_37] : memref<327680xi32, #tpu.memory_space<hbm>> -> memref<128xi32, #tpu.memory_space<hbm>>
    tpu.wait_dma2 semaphore(%dma_wait3A_36 : memref<!tpu.dma_semaphore, #tpu.memory_space<semaphore_mem>>) src(%dma_wait3A_38 : memref<128xi32, #tpu.memory_space<hbm>>) dst(%arg6 : memref<128xi32, #tpu.memory_space<vmem>>)
    %dma_wait3A_39 = arith.constant 0 : i32
    %dma_wait3A_40 = arith.constant 0 : i32
    %dma_wait3A_41 = tpu.memref_slice %arg4[%dma_wait3A_40] : memref<327680xi32, #tpu.memory_space<hbm>> -> memref<128xi32, #tpu.memory_space<hbm>>
    %dma_wait3A_42 = tpu.memref_slice %arg13[%dma_wait3A_39] : memref<2x!tpu.dma_semaphore, #tpu.memory_space<semaphore_mem>> -> memref<1x!tpu.dma_semaphore, #tpu.memory_space<semaphore_mem>>
    %dma_wait3A_43 = tpu.memref_squeeze %dma_wait3A_42 : memref<1x!tpu.dma_semaphore, #tpu.memory_space<semaphore_mem>> -> memref<!tpu.dma_semaphore, #tpu.memory_space<semaphore_mem>>
    %dma_wait3A_44 = arith.constant 0 : i32
    %dma_wait3A_45 = tpu.memref_slice %arg4[%dma_wait3A_44] : memref<327680xi32, #tpu.memory_space<hbm>> -> memref<128xi32, #tpu.memory_space<hbm>>
    tpu.wait_dma2 semaphore(%dma_wait3A_43 : memref<!tpu.dma_semaphore, #tpu.memory_space<semaphore_mem>>) src(%dma_wait3A_45 : memref<128xi32, #tpu.memory_space<hbm>>) dst(%arg8 : memref<128xi32, #tpu.memory_space<vmem>>)
    %dma_start3A_46 = arith.constant 0 : i32
    %dma_start3A_47 = arith.constant 0 : i32
    %dma_start3A_48 = arith.constant 0 : i32
    %dma_start3A_49 = arith.constant 0 : i32
    %dma_start3A_50 = tpu.memref_slice %arg10[%dma_start3A_46, %dma_start3A_48, %dma_start3A_49] : memref<2x128x128xf32, #tpu.memory_space<vmem>> -> memref<1x128x128xf32, #tpu.memory_space<vmem>>
    %dma_start3A_51 = tpu.memref_squeeze %dma_start3A_50 : memref<1x128x128xf32, #tpu.memory_space<vmem>> -> memref<128x128xf32, #tpu.memory_space<vmem>>
    %dma_start3A_52 = arith.constant 0 : i32
    %dma_start3A_53 = arith.constant 0 : i32
    %dma_start3A_54 = tpu.memref_slice %arg2[%dma_start3A_52, %dma_start3A_53] : memref<10240x128xf32, #tpu.memory_space<hbm>> -> memref<10240x128xf32, #tpu.memory_space<hbm>>
    %dma_start3A_55 = tpu.memref_slice %arg12[%dma_start3A_47] : memref<2x!tpu.dma_semaphore, #tpu.memory_space<semaphore_mem>> -> memref<1x!tpu.dma_semaphore, #tpu.memory_space<semaphore_mem>>
    %dma_start3A_56 = tpu.memref_squeeze %dma_start3A_55 : memref<1x!tpu.dma_semaphore, #tpu.memory_space<semaphore_mem>> -> memref<!tpu.dma_semaphore, #tpu.memory_space<semaphore_mem>>
    tpu.enqueue_indirect_dma source(%dma_start3A_54 : memref<10240x128xf32, #tpu.memory_space<hbm>>) target(%dma_start3A_51 : memref<128x128xf32, #tpu.memory_space<vmem>>) offsets(%arg6 : memref<128xi32, #tpu.memory_space<vmem>>) semaphore(%dma_start3A_56 : memref<!tpu.dma_semaphore, #tpu.memory_space<semaphore_mem>>)
    %scan3A = arith.constant 0 : i32
    %scan3A_57 = arith.constant 0 : i32
    %scan3A_58 = arith.constant 40 : i32
    %scan3A_59 = arith.addi %scan3A_57, %scan3A_58 : i32
    %scan3A_60 = arith.constant 1 : i32
    %scan3A_61 = scf.for %scan3A_68 = %scan3A_57 to %scan3A_59 step %scan3A_60 iter_args(%scan3A_69 = %scan3A) -> (i32)  : i32 {
      %mul3A_70 = arith.constant 2 : i32
      %mul3A_71 = arith.muli %mul3A_70, %scan3A_68 : i32
      %add3A_72 = arith.constant 0 : i32
      %add3A_73 = arith.addi %mul3A_71, %add3A_72 : i32
      %lt3A = arith.constant 79 : i32
      %lt3A_74 = arith.cmpi slt, %add3A_73, %lt3A : i32
      %convert_element_type3A_75 = arith.extui %lt3A_74 : i1 to i32
      %cond3A_76 = arith.constant 0 : i32
      %cond3A_77 = arith.cmpi ne, %convert_element_type3A_75, %cond3A_76 : i32
      scf.if %cond3A_77 {
        %dma_wait3A_145 = arith.constant 1 : i32
        %dma_wait3A_146 = arith.constant 0 : i32
        %dma_wait3A_147 = tpu.memref_slice %arg3[%dma_wait3A_146] : memref<327680xi32, #tpu.memory_space<hbm>> -> memref<128xi32, #tpu.memory_space<hbm>>
        %dma_wait3A_148 = tpu.memref_slice %arg13[%dma_wait3A_145] : memref<2x!tpu.dma_semaphore, #tpu.memory_space<semaphore_mem>> -> memref<1x!tpu.dma_semaphore, #tpu.memory_space<semaphore_mem>>
        %dma_wait3A_149 = tpu.memref_squeeze %dma_wait3A_148 : memref<1x!tpu.dma_semaphore, #tpu.memory_space<semaphore_mem>> -> memref<!tpu.dma_semaphore, #tpu.memory_space<semaphore_mem>>
        %dma_wait3A_150 = arith.constant 0 : i32
        %dma_wait3A_151 = tpu.memref_slice %arg3[%dma_wait3A_150] : memref<327680xi32, #tpu.memory_space<hbm>> -> memref<128xi32, #tpu.memory_space<hbm>>
        tpu.wait_dma2 semaphore(%dma_wait3A_149 : memref<!tpu.dma_semaphore, #tpu.memory_space<semaphore_mem>>) src(%dma_wait3A_151 : memref<128xi32, #tpu.memory_space<hbm>>) dst(%arg7 : memref<128xi32, #tpu.memory_space<vmem>>)
        %dma_wait3A_152 = arith.constant 1 : i32
        %dma_wait3A_153 = arith.constant 0 : i32
        %dma_wait3A_154 = tpu.memref_slice %arg4[%dma_wait3A_153] : memref<327680xi32, #tpu.memory_space<hbm>> -> memref<128xi32, #tpu.memory_space<hbm>>
        %dma_wait3A_155 = tpu.memref_slice %arg13[%dma_wait3A_152] : memref<2x!tpu.dma_semaphore, #tpu.memory_space<semaphore_mem>> -> memref<1x!tpu.dma_semaphore, #tpu.memory_space<semaphore_mem>>
        %dma_wait3A_156 = tpu.memref_squeeze %dma_wait3A_155 : memref<1x!tpu.dma_semaphore, #tpu.memory_space<semaphore_mem>> -> memref<!tpu.dma_semaphore, #tpu.memory_space<semaphore_mem>>
        %dma_wait3A_157 = arith.constant 0 : i32
        %dma_wait3A_158 = tpu.memref_slice %arg4[%dma_wait3A_157] : memref<327680xi32, #tpu.memory_space<hbm>> -> memref<128xi32, #tpu.memory_space<hbm>>
        tpu.wait_dma2 semaphore(%dma_wait3A_156 : memref<!tpu.dma_semaphore, #tpu.memory_space<semaphore_mem>>) src(%dma_wait3A_158 : memref<128xi32, #tpu.memory_space<hbm>>) dst(%arg9 : memref<128xi32, #tpu.memory_space<vmem>>)
        %dma_start3A_159 = arith.constant 1 : i32
        %dma_start3A_160 = arith.constant 1 : i32
        %dma_start3A_161 = arith.constant 0 : i32
        %dma_start3A_162 = arith.constant 0 : i32
        %dma_start3A_163 = tpu.memref_slice %arg10[%dma_start3A_159, %dma_start3A_161, %dma_start3A_162] : memref<2x128x128xf32, #tpu.memory_space<vmem>> -> memref<1x128x128xf32, #tpu.memory_space<vmem>>
        %dma_start3A_164 = tpu.memref_squeeze %dma_start3A_163 : memref<1x128x128xf32, #tpu.memory_space<vmem>> -> memref<128x128xf32, #tpu.memory_space<vmem>>
        %dma_start3A_165 = arith.constant 0 : i32
        %dma_start3A_166 = arith.constant 0 : i32
        %dma_start3A_167 = tpu.memref_slice %arg2[%dma_start3A_165, %dma_start3A_166] : memref<10240x128xf32, #tpu.memory_space<hbm>> -> memref<10240x128xf32, #tpu.memory_space<hbm>>
        %dma_start3A_168 = tpu.memref_slice %arg12[%dma_start3A_160] : memref<2x!tpu.dma_semaphore, #tpu.memory_space<semaphore_mem>> -> memref<1x!tpu.dma_semaphore, #tpu.memory_space<semaphore_mem>>
        %dma_start3A_169 = tpu.memref_squeeze %dma_start3A_168 : memref<1x!tpu.dma_semaphore, #tpu.memory_space<semaphore_mem>> -> memref<!tpu.dma_semaphore, #tpu.memory_space<semaphore_mem>>
        tpu.enqueue_indirect_dma source(%dma_start3A_167 : memref<10240x128xf32, #tpu.memory_space<hbm>>) target(%dma_start3A_164 : memref<128x128xf32, #tpu.memory_space<vmem>>) offsets(%arg7 : memref<128xi32, #tpu.memory_space<vmem>>) semaphore(%dma_start3A_169 : memref<!tpu.dma_semaphore, #tpu.memory_space<semaphore_mem>>)
      } else {
      }
      %dma_wait3A_78 = arith.constant 0 : i32
      %dma_wait3A_79 = arith.constant 0 : i32
      %dma_wait3A_80 = arith.constant 0 : i32
      %dma_wait3A_81 = arith.constant 0 : i32
      %dma_wait3A_82 = tpu.memref_slice %arg10[%dma_wait3A_78, %dma_wait3A_80, %dma_wait3A_81] : memref<2x128x128xf32, #tpu.memory_space<vmem>> -> memref<1x128x128xf32, #tpu.memory_space<vmem>>
      %dma_wait3A_83 = tpu.memref_squeeze %dma_wait3A_82 : memref<1x128x128xf32, #tpu.memory_space<vmem>> -> memref<128x128xf32, #tpu.memory_space<vmem>>
      %dma_wait3A_84 = arith.constant 0 : i32
      %dma_wait3A_85 = arith.constant 0 : i32
      %dma_wait3A_86 = tpu.memref_slice %arg2[%dma_wait3A_84, %dma_wait3A_85] : memref<10240x128xf32, #tpu.memory_space<hbm>> -> memref<128x128xf32, #tpu.memory_space<hbm>>
      %dma_wait3A_87 = tpu.memref_slice %arg12[%dma_wait3A_79] : memref<2x!tpu.dma_semaphore, #tpu.memory_space<semaphore_mem>> -> memref<1x!tpu.dma_semaphore, #tpu.memory_space<semaphore_mem>>
      %dma_wait3A_88 = tpu.memref_squeeze %dma_wait3A_87 : memref<1x!tpu.dma_semaphore, #tpu.memory_space<semaphore_mem>> -> memref<!tpu.dma_semaphore, #tpu.memory_space<semaphore_mem>>
      %dma_wait3A_89 = arith.constant 0 : i32
      %dma_wait3A_90 = arith.constant 0 : i32
      %dma_wait3A_91 = tpu.memref_slice %arg10[%dma_wait3A_78, %dma_wait3A_89, %dma_wait3A_90] : memref<2x128x128xf32, #tpu.memory_space<vmem>> -> memref<1x128x128xf32, #tpu.memory_space<vmem>>
      %dma_wait3A_92 = tpu.memref_squeeze %dma_wait3A_91 : memref<1x128x128xf32, #tpu.memory_space<vmem>> -> memref<128x128xf32, #tpu.memory_space<vmem>>
      %dma_wait3A_93 = arith.constant 0 : i32
      %dma_wait3A_94 = arith.constant 0 : i32
      %dma_wait3A_95 = tpu.memref_slice %arg2[%dma_wait3A_93, %dma_wait3A_94] : memref<10240x128xf32, #tpu.memory_space<hbm>> -> memref<128x128xf32, #tpu.memory_space<hbm>>
      tpu.wait_dma2 semaphore(%dma_wait3A_88 : memref<!tpu.dma_semaphore, #tpu.memory_space<semaphore_mem>>) src(%dma_wait3A_95 : memref<128x128xf32, #tpu.memory_space<hbm>>) dst(%dma_wait3A_92 : memref<128x128xf32, #tpu.memory_space<vmem>>)
      %lt3A_96 = arith.constant 78 : i32
      %lt3A_97 = arith.cmpi slt, %add3A_73, %lt3A_96 : i32
      %convert_element_type3A_98 = arith.extui %lt3A_97 : i1 to i32
      %cond3A_99 = arith.constant 0 : i32
      %cond3A_100 = arith.cmpi ne, %convert_element_type3A_98, %cond3A_99 : i32
      scf.if %cond3A_100 {
        %add3A_145 = arith.constant 2 : i32
        %add3A_146 = arith.addi %add3A_73, %add3A_145 : i32
        %mul3A_147 = arith.constant 128 : i32
        %mul3A_148 = arith.muli %add3A_146, %mul3A_147 : i32
        %add3A_149 = arith.addi %mul3A_2, %mul3A_148 : i32
        %dma_start3A_150 = arith.constant 0 : i32
        %dma_start3A_151 = tpu.memref_slice %arg3[%add3A_149] : memref<327680xi32, #tpu.memory_space<hbm>> -> memref<128xi32, #tpu.memory_space<hbm>>
        %dma_start3A_152 = tpu.memref_slice %arg13[%dma_start3A_150] : memref<2x!tpu.dma_semaphore, #tpu.memory_space<semaphore_mem>> -> memref<1x!tpu.dma_semaphore, #tpu.memory_space<semaphore_mem>>
        %dma_start3A_153 = tpu.memref_squeeze %dma_start3A_152 : memref<1x!tpu.dma_semaphore, #tpu.memory_space<semaphore_mem>> -> memref<!tpu.dma_semaphore, #tpu.memory_space<semaphore_mem>>
        %dma_start3A_154 = tpu.memref_slice %arg3[%add3A_149] : memref<327680xi32, #tpu.memory_space<hbm>> -> memref<128xi32, #tpu.memory_space<hbm>>
        tpu.enqueue_dma source(%dma_start3A_154 : memref<128xi32, #tpu.memory_space<hbm>>) target(%arg6 : memref<128xi32, #tpu.memory_space<vmem>>) target_semaphore(%dma_start3A_153 : memref<!tpu.dma_semaphore, #tpu.memory_space<semaphore_mem>>)
      } else {
      }
      %run_scoped3A = arith.constant 0 : i32
      "tpu.region"() ({
        %run_scoped3A_145 = tpu.sem_alloc : memref<!tpu.dma_semaphore, #tpu.memory_space<semaphore_mem>>
        %dma_start3A_146 = arith.constant 0 : i32
        %dma_start3A_147 = arith.constant 0 : i32
        %dma_start3A_148 = tpu.memref_slice %arg10[%run_scoped3A, %dma_start3A_146, %dma_start3A_147] : memref<2x128x128xf32, #tpu.memory_space<vmem>> -> memref<1x128x128xf32, #tpu.memory_space<vmem>>
        %dma_start3A_149 = tpu.memref_squeeze %dma_start3A_148 : memref<1x128x128xf32, #tpu.memory_space<vmem>> -> memref<128x128xf32, #tpu.memory_space<vmem>>
        %dma_start3A_150 = arith.constant 0 : i32
        %dma_start3A_151 = arith.constant 0 : i32
        %dma_start3A_152 = tpu.memref_slice %arg11[%dma_start3A_150, %dma_start3A_151] : memref<10240x128xf32, #tpu.memory_space<vmem_shared>> -> memref<10240x128xf32, #tpu.memory_space<vmem_shared>>
        tpu.enqueue_indirect_dma source(%dma_start3A_149 : memref<128x128xf32, #tpu.memory_space<vmem>>) target(%dma_start3A_152 : memref<10240x128xf32, #tpu.memory_space<vmem_shared>>) offsets(%arg8 : memref<128xi32, #tpu.memory_space<vmem>>) semaphore(%run_scoped3A_145 : memref<!tpu.dma_semaphore, #tpu.memory_space<semaphore_mem>>) {add = true}
        %dma_wait3A_153 = arith.constant 0 : i32
        %dma_wait3A_154 = arith.constant 0 : i32
        %dma_wait3A_155 = tpu.memref_slice %arg10[%run_scoped3A, %dma_wait3A_153, %dma_wait3A_154] : memref<2x128x128xf32, #tpu.memory_space<vmem>> -> memref<1x128x128xf32, #tpu.memory_space<vmem>>
        %dma_wait3A_156 = tpu.memref_squeeze %dma_wait3A_155 : memref<1x128x128xf32, #tpu.memory_space<vmem>> -> memref<128x128xf32, #tpu.memory_space<vmem>>
        %dma_wait3A_157 = arith.constant 0 : i32
        %dma_wait3A_158 = arith.constant 0 : i32
        %dma_wait3A_159 = tpu.memref_slice %arg11[%dma_wait3A_157, %dma_wait3A_158] : memref<10240x128xf32, #tpu.memory_space<vmem_shared>> -> memref<10240x128xf32, #tpu.memory_space<vmem_shared>>
        tpu.wait_indirect_dma semaphore(%run_scoped3A_145 : memref<!tpu.dma_semaphore, #tpu.memory_space<semaphore_mem>>) src(%dma_wait3A_156 : memref<128x128xf32, #tpu.memory_space<vmem>>) dst(%dma_wait3A_159 : memref<10240x128xf32, #tpu.memory_space<vmem_shared>>)
        tpu.yield
      }) : () -> ()
      %lt3A_101 = arith.constant 78 : i32
      %lt3A_102 = arith.cmpi slt, %add3A_73, %lt3A_101 : i32
      %convert_element_type3A_103 = arith.extui %lt3A_102 : i1 to i32
      %cond3A_104 = arith.constant 0 : i32
      %cond3A_105 = arith.cmpi ne, %convert_element_type3A_103, %cond3A_104 : i32
      scf.if %cond3A_105 {
        %add3A_145 = arith.constant 2 : i32
        %add3A_146 = arith.addi %add3A_73, %add3A_145 : i32
        %mul3A_147 = arith.constant 128 : i32
        %mul3A_148 = arith.muli %add3A_146, %mul3A_147 : i32
        %add3A_149 = arith.addi %mul3A_2, %mul3A_148 : i32
        %dma_start3A_150 = arith.constant 0 : i32
        %dma_start3A_151 = tpu.memref_slice %arg4[%add3A_149] : memref<327680xi32, #tpu.memory_space<hbm>> -> memref<128xi32, #tpu.memory_space<hbm>>
        %dma_start3A_152 = tpu.memref_slice %arg13[%dma_start3A_150] : memref<2x!tpu.dma_semaphore, #tpu.memory_space<semaphore_mem>> -> memref<1x!tpu.dma_semaphore, #tpu.memory_space<semaphore_mem>>
        %dma_start3A_153 = tpu.memref_squeeze %dma_start3A_152 : memref<1x!tpu.dma_semaphore, #tpu.memory_space<semaphore_mem>> -> memref<!tpu.dma_semaphore, #tpu.memory_space<semaphore_mem>>
        %dma_start3A_154 = tpu.memref_slice %arg4[%add3A_149] : memref<327680xi32, #tpu.memory_space<hbm>> -> memref<128xi32, #tpu.memory_space<hbm>>
        tpu.enqueue_dma source(%dma_start3A_154 : memref<128xi32, #tpu.memory_space<hbm>>) target(%arg8 : memref<128xi32, #tpu.memory_space<vmem>>) target_semaphore(%dma_start3A_153 : memref<!tpu.dma_semaphore, #tpu.memory_space<semaphore_mem>>)
      } else {
      }
      %mul3A_106 = arith.constant 2 : i32
      %mul3A_107 = arith.muli %mul3A_106, %scan3A_68 : i32
      %add3A_108 = arith.constant 1 : i32
      %add3A_109 = arith.addi %mul3A_107, %add3A_108 : i32
      %lt3A_110 = arith.constant 79 : i32
      %lt3A_111 = arith.cmpi slt, %add3A_109, %lt3A_110 : i32
      %convert_element_type3A_112 = arith.extui %lt3A_111 : i1 to i32
      %cond3A_113 = arith.constant 0 : i32
      %cond3A_114 = arith.cmpi ne, %convert_element_type3A_112, %cond3A_113 : i32
      scf.if %cond3A_114 {
        %dma_wait3A_145 = arith.constant 0 : i32
        %dma_wait3A_146 = arith.constant 0 : i32
        %dma_wait3A_147 = tpu.memref_slice %arg3[%dma_wait3A_146] : memref<327680xi32, #tpu.memory_space<hbm>> -> memref<128xi32, #tpu.memory_space<hbm>>
        %dma_wait3A_148 = tpu.memref_slice %arg13[%dma_wait3A_145] : memref<2x!tpu.dma_semaphore, #tpu.memory_space<semaphore_mem>> -> memref<1x!tpu.dma_semaphore, #tpu.memory_space<semaphore_mem>>
        %dma_wait3A_149 = tpu.memref_squeeze %dma_wait3A_148 : memref<1x!tpu.dma_semaphore, #tpu.memory_space<semaphore_mem>> -> memref<!tpu.dma_semaphore, #tpu.memory_space<semaphore_mem>>
        %dma_wait3A_150 = arith.constant 0 : i32
        %dma_wait3A_151 = tpu.memref_slice %arg3[%dma_wait3A_150] : memref<327680xi32, #tpu.memory_space<hbm>> -> memref<128xi32, #tpu.memory_space<hbm>>
        tpu.wait_dma2 semaphore(%dma_wait3A_149 : memref<!tpu.dma_semaphore, #tpu.memory_space<semaphore_mem>>) src(%dma_wait3A_151 : memref<128xi32, #tpu.memory_space<hbm>>) dst(%arg6 : memref<128xi32, #tpu.memory_space<vmem>>)
        %dma_wait3A_152 = arith.constant 0 : i32
        %dma_wait3A_153 = arith.constant 0 : i32
        %dma_wait3A_154 = tpu.memref_slice %arg4[%dma_wait3A_153] : memref<327680xi32, #tpu.memory_space<hbm>> -> memref<128xi32, #tpu.memory_space<hbm>>
        %dma_wait3A_155 = tpu.memref_slice %arg13[%dma_wait3A_152] : memref<2x!tpu.dma_semaphore, #tpu.memory_space<semaphore_mem>> -> memref<1x!tpu.dma_semaphore, #tpu.memory_space<semaphore_mem>>
        %dma_wait3A_156 = tpu.memref_squeeze %dma_wait3A_155 : memref<1x!tpu.dma_semaphore, #tpu.memory_space<semaphore_mem>> -> memref<!tpu.dma_semaphore, #tpu.memory_space<semaphore_mem>>
        %dma_wait3A_157 = arith.constant 0 : i32
        %dma_wait3A_158 = tpu.memref_slice %arg4[%dma_wait3A_157] : memref<327680xi32, #tpu.memory_space<hbm>> -> memref<128xi32, #tpu.memory_space<hbm>>
        tpu.wait_dma2 semaphore(%dma_wait3A_156 : memref<!tpu.dma_semaphore, #tpu.memory_space<semaphore_mem>>) src(%dma_wait3A_158 : memref<128xi32, #tpu.memory_space<hbm>>) dst(%arg8 : memref<128xi32, #tpu.memory_space<vmem>>)
        %dma_start3A_159 = arith.constant 0 : i32
        %dma_start3A_160 = arith.constant 0 : i32
        %dma_start3A_161 = arith.constant 0 : i32
        %dma_start3A_162 = arith.constant 0 : i32
        %dma_start3A_163 = tpu.memref_slice %arg10[%dma_start3A_159, %dma_start3A_161, %dma_start3A_162] : memref<2x128x128xf32, #tpu.memory_space<vmem>> -> memref<1x128x128xf32, #tpu.memory_space<vmem>>
        %dma_start3A_164 = tpu.memref_squeeze %dma_start3A_163 : memref<1x128x128xf32, #tpu.memory_space<vmem>> -> memref<128x128xf32, #tpu.memory_space<vmem>>
        %dma_start3A_165 = arith.constant 0 : i32
        %dma_start3A_166 = arith.constant 0 : i32
        %dma_start3A_167 = tpu.memref_slice %arg2[%dma_start3A_165, %dma_start3A_166] : memref<10240x128xf32, #tpu.memory_space<hbm>> -> memref<10240x128xf32, #tpu.memory_space<hbm>>
        %dma_start3A_168 = tpu.memref_slice %arg12[%dma_start3A_160] : memref<2x!tpu.dma_semaphore, #tpu.memory_space<semaphore_mem>> -> memref<1x!tpu.dma_semaphore, #tpu.memory_space<semaphore_mem>>
        %dma_start3A_169 = tpu.memref_squeeze %dma_start3A_168 : memref<1x!tpu.dma_semaphore, #tpu.memory_space<semaphore_mem>> -> memref<!tpu.dma_semaphore, #tpu.memory_space<semaphore_mem>>
        tpu.enqueue_indirect_dma source(%dma_start3A_167 : memref<10240x128xf32, #tpu.memory_space<hbm>>) target(%dma_start3A_164 : memref<128x128xf32, #tpu.memory_space<vmem>>) offsets(%arg6 : memref<128xi32, #tpu.memory_space<vmem>>) semaphore(%dma_start3A_169 : memref<!tpu.dma_semaphore, #tpu.memory_space<semaphore_mem>>)
      } else {
      }
      %dma_wait3A_115 = arith.constant 1 : i32
      %dma_wait3A_116 = arith.constant 1 : i32
      %dma_wait3A_117 = arith.constant 0 : i32
      %dma_wait3A_118 = arith.constant 0 : i32
      %dma_wait3A_119 = tpu.memref_slice %arg10[%dma_wait3A_115, %dma_wait3A_117, %dma_wait3A_118] : memref<2x128x128xf32, #tpu.memory_space<vmem>> -> memref<1x128x128xf32, #tpu.memory_space<vmem>>
      %dma_wait3A_120 = tpu.memref_squeeze %dma_wait3A_119 : memref<1x128x128xf32, #tpu.memory_space<vmem>> -> memref<128x128xf32, #tpu.memory_space<vmem>>
      %dma_wait3A_121 = arith.constant 0 : i32
      %dma_wait3A_122 = arith.constant 0 : i32
      %dma_wait3A_123 = tpu.memref_slice %arg2[%dma_wait3A_121, %dma_wait3A_122] : memref<10240x128xf32, #tpu.memory_space<hbm>> -> memref<128x128xf32, #tpu.memory_space<hbm>>
      %dma_wait3A_124 = tpu.memref_slice %arg12[%dma_wait3A_116] : memref<2x!tpu.dma_semaphore, #tpu.memory_space<semaphore_mem>> -> memref<1x!tpu.dma_semaphore, #tpu.memory_space<semaphore_mem>>
      %dma_wait3A_125 = tpu.memref_squeeze %dma_wait3A_124 : memref<1x!tpu.dma_semaphore, #tpu.memory_space<semaphore_mem>> -> memref<!tpu.dma_semaphore, #tpu.memory_space<semaphore_mem>>
      %dma_wait3A_126 = arith.constant 0 : i32
      %dma_wait3A_127 = arith.constant 0 : i32
      %dma_wait3A_128 = tpu.memref_slice %arg10[%dma_wait3A_115, %dma_wait3A_126, %dma_wait3A_127] : memref<2x128x128xf32, #tpu.memory_space<vmem>> -> memref<1x128x128xf32, #tpu.memory_space<vmem>>
      %dma_wait3A_129 = tpu.memref_squeeze %dma_wait3A_128 : memref<1x128x128xf32, #tpu.memory_space<vmem>> -> memref<128x128xf32, #tpu.memory_space<vmem>>
      %dma_wait3A_130 = arith.constant 0 : i32
      %dma_wait3A_131 = arith.constant 0 : i32
      %dma_wait3A_132 = tpu.memref_slice %arg2[%dma_wait3A_130, %dma_wait3A_131] : memref<10240x128xf32, #tpu.memory_space<hbm>> -> memref<128x128xf32, #tpu.memory_space<hbm>>
      tpu.wait_dma2 semaphore(%dma_wait3A_125 : memref<!tpu.dma_semaphore, #tpu.memory_space<semaphore_mem>>) src(%dma_wait3A_132 : memref<128x128xf32, #tpu.memory_space<hbm>>) dst(%dma_wait3A_129 : memref<128x128xf32, #tpu.memory_space<vmem>>)
      %lt3A_133 = arith.constant 78 : i32
      %lt3A_134 = arith.cmpi slt, %add3A_109, %lt3A_133 : i32
      %convert_element_type3A_135 = arith.extui %lt3A_134 : i1 to i32
      %cond3A_136 = arith.constant 0 : i32
      %cond3A_137 = arith.cmpi ne, %convert_element_type3A_135, %cond3A_136 : i32
      scf.if %cond3A_137 {
        %add3A_145 = arith.constant 2 : i32
        %add3A_146 = arith.addi %add3A_109, %add3A_145 : i32
        %mul3A_147 = arith.constant 128 : i32
        %mul3A_148 = arith.muli %add3A_146, %mul3A_147 : i32
        %add3A_149 = arith.addi %mul3A_2, %mul3A_148 : i32
        %dma_start3A_150 = arith.constant 1 : i32
        %dma_start3A_151 = tpu.memref_slice %arg3[%add3A_149] : memref<327680xi32, #tpu.memory_space<hbm>> -> memref<128xi32, #tpu.memory_space<hbm>>
        %dma_start3A_152 = tpu.memref_slice %arg13[%dma_start3A_150] : memref<2x!tpu.dma_semaphore, #tpu.memory_space<semaphore_mem>> -> memref<1x!tpu.dma_semaphore, #tpu.memory_space<semaphore_mem>>
        %dma_start3A_153 = tpu.memref_squeeze %dma_start3A_152 : memref<1x!tpu.dma_semaphore, #tpu.memory_space<semaphore_mem>> -> memref<!tpu.dma_semaphore, #tpu.memory_space<semaphore_mem>>
        %dma_start3A_154 = tpu.memref_slice %arg3[%add3A_149] : memref<327680xi32, #tpu.memory_space<hbm>> -> memref<128xi32, #tpu.memory_space<hbm>>
        tpu.enqueue_dma source(%dma_start3A_154 : memref<128xi32, #tpu.memory_space<hbm>>) target(%arg7 : memref<128xi32, #tpu.memory_space<vmem>>) target_semaphore(%dma_start3A_153 : memref<!tpu.dma_semaphore, #tpu.memory_space<semaphore_mem>>)
      } else {
      }
      %run_scoped3A_138 = arith.constant 1 : i32
      "tpu.region"() ({
        %run_scoped3A_145 = tpu.sem_alloc : memref<!tpu.dma_semaphore, #tpu.memory_space<semaphore_mem>>
        %dma_start3A_146 = arith.constant 0 : i32
        %dma_start3A_147 = arith.constant 0 : i32
        %dma_start3A_148 = tpu.memref_slice %arg10[%run_scoped3A_138, %dma_start3A_146, %dma_start3A_147] : memref<2x128x128xf32, #tpu.memory_space<vmem>> -> memref<1x128x128xf32, #tpu.memory_space<vmem>>
        %dma_start3A_149 = tpu.memref_squeeze %dma_start3A_148 : memref<1x128x128xf32, #tpu.memory_space<vmem>> -> memref<128x128xf32, #tpu.memory_space<vmem>>
        %dma_start3A_150 = arith.constant 0 : i32
        %dma_start3A_151 = arith.constant 0 : i32
        %dma_start3A_152 = tpu.memref_slice %arg11[%dma_start3A_150, %dma_start3A_151] : memref<10240x128xf32, #tpu.memory_space<vmem_shared>> -> memref<10240x128xf32, #tpu.memory_space<vmem_shared>>
        tpu.enqueue_indirect_dma source(%dma_start3A_149 : memref<128x128xf32, #tpu.memory_space<vmem>>) target(%dma_start3A_152 : memref<10240x128xf32, #tpu.memory_space<vmem_shared>>) offsets(%arg9 : memref<128xi32, #tpu.memory_space<vmem>>) semaphore(%run_scoped3A_145 : memref<!tpu.dma_semaphore, #tpu.memory_space<semaphore_mem>>) {add = true}
        %dma_wait3A_153 = arith.constant 0 : i32
        %dma_wait3A_154 = arith.constant 0 : i32
        %dma_wait3A_155 = tpu.memref_slice %arg10[%run_scoped3A_138, %dma_wait3A_153, %dma_wait3A_154] : memref<2x128x128xf32, #tpu.memory_space<vmem>> -> memref<1x128x128xf32, #tpu.memory_space<vmem>>
        %dma_wait3A_156 = tpu.memref_squeeze %dma_wait3A_155 : memref<1x128x128xf32, #tpu.memory_space<vmem>> -> memref<128x128xf32, #tpu.memory_space<vmem>>
        %dma_wait3A_157 = arith.constant 0 : i32
        %dma_wait3A_158 = arith.constant 0 : i32
        %dma_wait3A_159 = tpu.memref_slice %arg11[%dma_wait3A_157, %dma_wait3A_158] : memref<10240x128xf32, #tpu.memory_space<vmem_shared>> -> memref<10240x128xf32, #tpu.memory_space<vmem_shared>>
        tpu.wait_indirect_dma semaphore(%run_scoped3A_145 : memref<!tpu.dma_semaphore, #tpu.memory_space<semaphore_mem>>) src(%dma_wait3A_156 : memref<128x128xf32, #tpu.memory_space<vmem>>) dst(%dma_wait3A_159 : memref<10240x128xf32, #tpu.memory_space<vmem_shared>>)
        tpu.yield
      }) : () -> ()
      %lt3A_139 = arith.constant 78 : i32
      %lt3A_140 = arith.cmpi slt, %add3A_109, %lt3A_139 : i32
      %convert_element_type3A_141 = arith.extui %lt3A_140 : i1 to i32
      %cond3A_142 = arith.constant 0 : i32
      %cond3A_143 = arith.cmpi ne, %convert_element_type3A_141, %cond3A_142 : i32
      scf.if %cond3A_143 {
        %add3A_145 = arith.constant 2 : i32
        %add3A_146 = arith.addi %add3A_109, %add3A_145 : i32
        %mul3A_147 = arith.constant 128 : i32
        %mul3A_148 = arith.muli %add3A_146, %mul3A_147 : i32
        %add3A_149 = arith.addi %mul3A_2, %mul3A_148 : i32
        %dma_start3A_150 = arith.constant 1 : i32
        %dma_start3A_151 = tpu.memref_slice %arg4[%add3A_149] : memref<327680xi32, #tpu.memory_space<hbm>> -> memref<128xi32, #tpu.memory_space<hbm>>
        %dma_start3A_152 = tpu.memref_slice %arg13[%dma_start3A_150] : memref<2x!tpu.dma_semaphore, #tpu.memory_space<semaphore_mem>> -> memref<1x!tpu.dma_semaphore, #tpu.memory_space<semaphore_mem>>
        %dma_start3A_153 = tpu.memref_squeeze %dma_start3A_152 : memref<1x!tpu.dma_semaphore, #tpu.memory_space<semaphore_mem>> -> memref<!tpu.dma_semaphore, #tpu.memory_space<semaphore_mem>>
        %dma_start3A_154 = tpu.memref_slice %arg4[%add3A_149] : memref<327680xi32, #tpu.memory_space<hbm>> -> memref<128xi32, #tpu.memory_space<hbm>>
        tpu.enqueue_dma source(%dma_start3A_154 : memref<128xi32, #tpu.memory_space<hbm>>) target(%arg9 : memref<128xi32, #tpu.memory_space<vmem>>) target_semaphore(%dma_start3A_153 : memref<!tpu.dma_semaphore, #tpu.memory_space<semaphore_mem>>)
      } else {
      }
      %scan3A_144 = arith.constant 0 : i32
      scf.yield %scan3A_144 : i32
    }
    %scan3A_62 = arith.constant 40 : i32
    %barrier3A_63 = arith.constant 0 : index
    tpu.barrier barrier_id(%barrier3A_63)
    %mul3A_64 = arith.constant 640 : i32
    %mul3A_65 = arith.muli %arg1, %mul3A_64 : i32
    %mul3A_66 = arith.constant 640 : i32
    %mul3A_67 = arith.muli %arg1, %mul3A_66 : i32
    "tpu.region"() ({
      %run_scoped3A = tpu.sem_alloc : memref<!tpu.dma_semaphore, #tpu.memory_space<semaphore_mem>>
      %dma_start3A_68 = arith.constant 0 : i32
      %dma_start3A_69 = tpu.memref_slice %arg5[%arg0, %mul3A_67, %dma_start3A_68] : memref<2x10240x128xf32, #tpu.memory_space<hbm>> -> memref<1x640x128xf32, #tpu.memory_space<hbm>>
      %dma_start3A_70 = tpu.memref_squeeze %dma_start3A_69 : memref<1x640x128xf32, #tpu.memory_space<hbm>> -> memref<640x128xf32, #tpu.memory_space<hbm>>
      %dma_start3A_71 = arith.constant 0 : i32
      %dma_start3A_72 = tpu.memref_slice %arg11[%mul3A_65, %dma_start3A_71] : memref<10240x128xf32, #tpu.memory_space<vmem_shared>> -> memref<640x128xf32, #tpu.memory_space<vmem_shared>>
      tpu.enqueue_dma source(%dma_start3A_72 : memref<640x128xf32, #tpu.memory_space<vmem_shared>>) target(%dma_start3A_70 : memref<640x128xf32, #tpu.memory_space<hbm>>) target_semaphore(%run_scoped3A : memref<!tpu.dma_semaphore, #tpu.memory_space<semaphore_mem>>)
      %dma_wait3A_73 = arith.constant 0 : i32
      %dma_wait3A_74 = tpu.memref_slice %arg5[%arg0, %mul3A_67, %dma_wait3A_73] : memref<2x10240x128xf32, #tpu.memory_space<hbm>> -> memref<1x640x128xf32, #tpu.memory_space<hbm>>
      %dma_wait3A_75 = tpu.memref_squeeze %dma_wait3A_74 : memref<1x640x128xf32, #tpu.memory_space<hbm>> -> memref<640x128xf32, #tpu.memory_space<hbm>>
      %dma_wait3A_76 = arith.constant 0 : i32
      %dma_wait3A_77 = tpu.memref_slice %arg11[%mul3A_65, %dma_wait3A_76] : memref<10240x128xf32, #tpu.memory_space<vmem_shared>> -> memref<640x128xf32, #tpu.memory_space<vmem_shared>>
      tpu.wait_dma2 semaphore(%run_scoped3A : memref<!tpu.dma_semaphore, #tpu.memory_space<semaphore_mem>>) src(%dma_wait3A_77 : memref<640x128xf32, #tpu.memory_space<vmem_shared>>) dst(%dma_wait3A_75 : memref<640x128xf32, #tpu.memory_space<hbm>>)
      tpu.yield
    }) : () -> ()
    return
  }
}

module attributes {stable_mosaic.version = 14 : i64} {
  func.func @body(%arg0: i32, %arg1: memref<512x128xf32, #tpu.memory_space<vmem>>, %arg2: memref<128x128xf32, #tpu.memory_space<vmem>>, %arg3: memref<1x128xf32, #tpu.memory_space<vmem>>, %arg4: memref<128x128xf32, #tpu.memory_space<vmem>>, %arg5: memref<512x128xf32, #tpu.memory_space<vmem>>) attributes {dimension_semantics = [#tpu.dimension_semantics<arbitrary>], iteration_bounds = array<i64: 20>, scalar_prefetch = 0 : i64, scratch_operands = 0 : i64, tpu.core_type = #tpu.core_type<tc>, window_params = [{transform_indices = @transform_0, window_bounds = array<i64: 512, 128>}, {pipeline_mode = #tpu.pipeline_mode<synchronous>, transform_indices = @transform_1, window_bounds = array<i64: 128, 128>}, {pipeline_mode = #tpu.pipeline_mode<synchronous>, transform_indices = @transform_2, window_bounds = array<i64: 1, 128>}, {pipeline_mode = #tpu.pipeline_mode<synchronous>, transform_indices = @transform_3, window_bounds = array<i64: 128, 128>}, {transform_indices = @transform_4, window_bounds = array<i64: 512, 128>}]} {
    %get3A = arith.constant 0 : index
    %get3A_0 = arith.constant 0 : index
    %get3A_1 = vector.load %arg1[%get3A, %get3A_0] : memref<512x128xf32, #tpu.memory_space<vmem>>, vector<512x128xf32>
    %get3A_2 = arith.constant 0 : index
    %get3A_3 = arith.constant 0 : index
    %get3A_4 = vector.load %arg2[%get3A_2, %get3A_3] : memref<128x128xf32, #tpu.memory_space<vmem>>, vector<128x128xf32>
    %dot_general3A = arith.constant dense<0.000000e+00> : vector<512x128xf32>
    %dot_general3A_5 = tpu.matmul %get3A_1, %get3A_4, %dot_general3A {dimension_numbers = #tpu.dot_dimension_numbers<[1], [0], [0], [1], [0, 0, 1, 1], [], []>, transpose_lhs_hint = false} : vector<512x128xf32>, vector<128x128xf32>, vector<512x128xf32> -> vector<512x128xf32>
    %get3A_6 = arith.constant 0 : index
    %get3A_7 = arith.constant 0 : index
    %get3A_8 = vector.load %arg3[%get3A_6, %get3A_7] : memref<1x128xf32, #tpu.memory_space<vmem>>, vector<1x128xf32>
    %add3A = vector.broadcast %get3A_8 : vector<1x128xf32> to vector<512x128xf32>
    %add3A_9 = arith.addf %dot_general3A_5, %add3A : vector<512x128xf32>
    %max3A = arith.constant 0.000000e+00 : f32
    %max3A_10 = vector.broadcast %max3A : f32 to vector<512x128xf32>
    %max3A_11 = arith.maximumf %add3A_9, %max3A_10 : vector<512x128xf32>
    %get3A_12 = arith.constant 0 : index
    %get3A_13 = arith.constant 0 : index
    %get3A_14 = vector.load %arg4[%get3A_12, %get3A_13] : memref<128x128xf32, #tpu.memory_space<vmem>>, vector<128x128xf32>
    %dot_general3A_15 = arith.constant dense<0.000000e+00> : vector<512x128xf32>
    %dot_general3A_16 = tpu.matmul %max3A_11, %get3A_14, %dot_general3A_15 {dimension_numbers = #tpu.dot_dimension_numbers<[1], [0], [0], [1], [0, 0, 1, 1], [], []>, transpose_lhs_hint = false} : vector<512x128xf32>, vector<128x128xf32>, vector<512x128xf32> -> vector<512x128xf32>
    %swap3A = arith.constant 0 : index
    %swap3A_17 = arith.constant 0 : index
    %swap3A_18 = vector.load %arg5[%swap3A, %swap3A_17] : memref<512x128xf32, #tpu.memory_space<vmem>>, vector<512x128xf32>
    tpu.vector_store %arg5[%swap3A, %swap3A_17], %dot_general3A_16 {strides = array<i32>} : memref<512x128xf32, #tpu.memory_space<vmem>>, vector<512x128xf32>,
    return
  }
  func.func @transform_0(%arg0: i32) -> (i32, i32) {
    %c0_i32 = arith.constant 0 : i32
    %c0_i32_0 = arith.constant 0 : i32
    return %arg0, %c0_i32 : i32, i32
  }
  func.func @transform_1(%arg0: i32) -> (i32, i32) {
    %c0_i32 = arith.constant 0 : i32
    %c0_i32_0 = arith.constant 0 : i32
    %c0_i32_1 = arith.constant 0 : i32
    return %c0_i32, %c0_i32_0 : i32, i32
  }
  func.func @transform_2(%arg0: i32) -> (i32, i32) {
    %c0_i32 = arith.constant 0 : i32
    %c0_i32_0 = arith.constant 0 : i32
    %c0_i32_1 = arith.constant 0 : i32
    return %c0_i32, %c0_i32_0 : i32, i32
  }
  func.func @transform_3(%arg0: i32) -> (i32, i32) {
    %c0_i32 = arith.constant 0 : i32
    %c0_i32_0 = arith.constant 0 : i32
    %c0_i32_1 = arith.constant 0 : i32
    return %c0_i32, %c0_i32_0 : i32, i32
  }
  func.func @transform_4(%arg0: i32) -> (i32, i32) {
    %c0_i32 = arith.constant 0 : i32
    %c0_i32_0 = arith.constant 0 : i32
    return %arg0, %c0_i32 : i32, i32
  }
}

module attributes {stable_mosaic.version = 14 : i64} {
  func.func @body(%arg0: i32, %arg1: memref<512x128xf32, #tpu.memory_space<vmem>>, %arg2: memref<2x10240xf32, #tpu.memory_space<vmem>>, %arg3: memref<512x128xf32, #tpu.memory_space<vmem>>) attributes {dimension_semantics = [#tpu.dimension_semantics<arbitrary>], iteration_bounds = array<i64: 20>, scalar_prefetch = 0 : i64, scratch_operands = 0 : i64, tpu.core_type = #tpu.core_type<tc>, window_params = [{transform_indices = @transform_0, window_bounds = array<i64: 512, 128>}, {pipeline_mode = #tpu.pipeline_mode<synchronous>, transform_indices = @transform_1, window_bounds = array<i64: 2, 10240>}, {transform_indices = @transform_2, window_bounds = array<i64: 512, 128>}]} {
    %mul3A = arith.constant 512 : i32
    %mul3A_0 = arith.muli %arg0, %mul3A : i32
    %get3A = arith.constant 0 : index
    %get3A_1 = arith.index_cast %mul3A_0 : i32 to index
    %get3A_2 = vector.load %arg2[%get3A, %get3A_1] : memref<2x10240xf32, #tpu.memory_space<vmem>>, vector<1x512xf32>
    %get3A_3 = vector.shape_cast %get3A_2 : vector<1x512xf32> to vector<512xf32>
    %mul3A_4 = arith.constant 512 : i32
    %mul3A_5 = arith.muli %arg0, %mul3A_4 : i32
    %get3A_6 = arith.constant 1 : index
    %get3A_7 = arith.index_cast %mul3A_5 : i32 to index
    %get3A_8 = vector.load %arg2[%get3A_6, %get3A_7] : memref<2x10240xf32, #tpu.memory_space<vmem>>, vector<1x512xf32>
    %get3A_9 = vector.shape_cast %get3A_8 : vector<1x512xf32> to vector<512xf32>
    %add3A = arith.addf %get3A_3, %get3A_9 : vector<512xf32>
    %add3A_10 = arith.constant 1.000000e+00 : f32
    %add3A_11 = vector.broadcast %add3A_10 : f32 to vector<512xf32>
    %add3A_12 = arith.addf %add3A, %add3A_11 : vector<512xf32>
    %rsqrt3A = math.rsqrt %add3A_12 : vector<512xf32>
    %get3A_13 = arith.constant 0 : index
    %get3A_14 = arith.constant 0 : index
    %get3A_15 = vector.load %arg1[%get3A_13, %get3A_14] : memref<512x128xf32, #tpu.memory_space<vmem>>, vector<512x128xf32>
    %broadcast_in_dim3A = vector.shape_cast %rsqrt3A : vector<512xf32> to vector<512x1xf32>
    %mul3A_16 = vector.broadcast %broadcast_in_dim3A : vector<512x1xf32> to vector<512x128xf32>
    %mul3A_17 = arith.mulf %get3A_15, %mul3A_16 : vector<512x128xf32>
    %swap3A = arith.constant 0 : index
    %swap3A_18 = arith.constant 0 : index
    %swap3A_19 = vector.load %arg3[%swap3A, %swap3A_18] : memref<512x128xf32, #tpu.memory_space<vmem>>, vector<512x128xf32>
    tpu.vector_store %arg3[%swap3A, %swap3A_18], %mul3A_17 {strides = array<i32>} : memref<512x128xf32, #tpu.memory_space<vmem>>, vector<512x128xf32>,
    return
  }
  func.func @transform_0(%arg0: i32) -> (i32, i32) {
    %c0_i32 = arith.constant 0 : i32
    %c0_i32_0 = arith.constant 0 : i32
    return %arg0, %c0_i32 : i32, i32
  }
  func.func @transform_1(%arg0: i32) -> (i32, i32) {
    %c0_i32 = arith.constant 0 : i32
    %c0_i32_0 = arith.constant 0 : i32
    %c0_i32_1 = arith.constant 0 : i32
    return %c0_i32, %c0_i32_0 : i32, i32
  }
  func.func @transform_2(%arg0: i32) -> (i32, i32) {
    %c0_i32 = arith.constant 0 : i32
    %c0_i32_0 = arith.constant 0 : i32
    return %arg0, %c0_i32 : i32, i32
  }
}

module attributes {stable_mosaic.version = 14 : i64} {
  func.func @body(%arg0: i32, %arg1: memref<2x512x128xf32, #tpu.memory_space<vmem>>, %arg2: memref<2x10240xf32, #tpu.memory_space<vmem>>, %arg3: memref<1x128xf32, #tpu.memory_space<vmem>>, %arg4: memref<128x128xf32, #tpu.memory_space<vmem>>, %arg5: memref<1x128xf32, #tpu.memory_space<vmem>>, %arg6: memref<512x128xf32, #tpu.memory_space<vmem>>) attributes {dimension_semantics = [#tpu.dimension_semantics<arbitrary>], iteration_bounds = array<i64: 20>, scalar_prefetch = 0 : i64, scratch_operands = 0 : i64, tpu.core_type = #tpu.core_type<tc>, window_params = [{transform_indices = @transform_0, window_bounds = array<i64: 2, 512, 128>}, {pipeline_mode = #tpu.pipeline_mode<synchronous>, transform_indices = @transform_1, window_bounds = array<i64: 2, 10240>}, {pipeline_mode = #tpu.pipeline_mode<synchronous>, transform_indices = @transform_2, window_bounds = array<i64: 1, 128>}, {pipeline_mode = #tpu.pipeline_mode<synchronous>, transform_indices = @transform_3, window_bounds = array<i64: 128, 128>}, {pipeline_mode = #tpu.pipeline_mode<synchronous>, transform_indices = @transform_4, window_bounds = array<i64: 1, 128>}, {transform_indices = @transform_5, window_bounds = array<i64: 512, 128>}]} {
    %mul3A = arith.constant 512 : i32
    %mul3A_0 = arith.muli %arg0, %mul3A : i32
    %get3A = arith.constant 0 : index
    %get3A_1 = arith.index_cast %mul3A_0 : i32 to index
    %get3A_2 = vector.load %arg2[%get3A, %get3A_1] : memref<2x10240xf32, #tpu.memory_space<vmem>>, vector<1x512xf32>
    %get3A_3 = vector.shape_cast %get3A_2 : vector<1x512xf32> to vector<512xf32>
    %mul3A_4 = arith.constant 512 : i32
    %mul3A_5 = arith.muli %arg0, %mul3A_4 : i32
    %get3A_6 = arith.constant 1 : index
    %get3A_7 = arith.index_cast %mul3A_5 : i32 to index
    %get3A_8 = vector.load %arg2[%get3A_6, %get3A_7] : memref<2x10240xf32, #tpu.memory_space<vmem>>, vector<1x512xf32>
    %get3A_9 = vector.shape_cast %get3A_8 : vector<1x512xf32> to vector<512xf32>
    %add3A = arith.addf %get3A_3, %get3A_9 : vector<512xf32>
    %add3A_10 = arith.constant 1.000000e+00 : f32
    %add3A_11 = vector.broadcast %add3A_10 : f32 to vector<512xf32>
    %add3A_12 = arith.addf %add3A, %add3A_11 : vector<512xf32>
    %rsqrt3A = math.rsqrt %add3A_12 : vector<512xf32>
    %get3A_13 = arith.constant 0 : index
    %get3A_14 = arith.constant 0 : index
    %get3A_15 = arith.constant 0 : index
    %get3A_16 = vector.load %arg1[%get3A_13, %get3A_14, %get3A_15] : memref<2x512x128xf32, #tpu.memory_space<vmem>>, vector<1x512x128xf32>
    %get3A_17 = vector.shape_cast %get3A_16 : vector<1x512x128xf32> to vector<512x128xf32>
    %get3A_18 = arith.constant 1 : index
    %get3A_19 = arith.constant 0 : index
    %get3A_20 = arith.constant 0 : index
    %get3A_21 = vector.load %arg1[%get3A_18, %get3A_19, %get3A_20] : memref<2x512x128xf32, #tpu.memory_space<vmem>>, vector<1x512x128xf32>
    %get3A_22 = vector.shape_cast %get3A_21 : vector<1x512x128xf32> to vector<512x128xf32>
    %add3A_23 = arith.addf %get3A_17, %get3A_22 : vector<512x128xf32>
    %broadcast_in_dim3A = vector.shape_cast %rsqrt3A : vector<512xf32> to vector<512x1xf32>
    %mul3A_24 = vector.broadcast %broadcast_in_dim3A : vector<512x1xf32> to vector<512x128xf32>
    %mul3A_25 = arith.mulf %add3A_23, %mul3A_24 : vector<512x128xf32>
    %get3A_26 = arith.constant 0 : index
    %get3A_27 = arith.constant 0 : index
    %get3A_28 = vector.load %arg3[%get3A_26, %get3A_27] : memref<1x128xf32, #tpu.memory_space<vmem>>, vector<1x128xf32>
    %add3A_29 = vector.broadcast %get3A_28 : vector<1x128xf32> to vector<512x128xf32>
    %add3A_30 = arith.addf %mul3A_25, %add3A_29 : vector<512x128xf32>
    %max3A = arith.constant 0.000000e+00 : f32
    %max3A_31 = vector.broadcast %max3A : f32 to vector<512x128xf32>
    %max3A_32 = arith.maximumf %add3A_30, %max3A_31 : vector<512x128xf32>
    %get3A_33 = arith.constant 0 : index
    %get3A_34 = arith.constant 0 : index
    %get3A_35 = vector.load %arg4[%get3A_33, %get3A_34] : memref<128x128xf32, #tpu.memory_space<vmem>>, vector<128x128xf32>
    %dot_general3A = arith.constant dense<0.000000e+00> : vector<512x128xf32>
    %dot_general3A_36 = tpu.matmul %max3A_32, %get3A_35, %dot_general3A {dimension_numbers = #tpu.dot_dimension_numbers<[1], [0], [0], [1], [0, 0, 1, 1], [], []>, transpose_lhs_hint = false} : vector<512x128xf32>, vector<128x128xf32>, vector<512x128xf32> -> vector<512x128xf32>
    %get3A_37 = arith.constant 0 : index
    %get3A_38 = arith.constant 0 : index
    %get3A_39 = vector.load %arg5[%get3A_37, %get3A_38] : memref<1x128xf32, #tpu.memory_space<vmem>>, vector<1x128xf32>
    %add3A_40 = vector.broadcast %get3A_39 : vector<1x128xf32> to vector<512x128xf32>
    %add3A_41 = arith.addf %dot_general3A_36, %add3A_40 : vector<512x128xf32>
    %swap3A = arith.constant 0 : index
    %swap3A_42 = arith.constant 0 : index
    %swap3A_43 = vector.load %arg6[%swap3A, %swap3A_42] : memref<512x128xf32, #tpu.memory_space<vmem>>, vector<512x128xf32>
    tpu.vector_store %arg6[%swap3A, %swap3A_42], %add3A_41 {strides = array<i32>} : memref<512x128xf32, #tpu.memory_space<vmem>>, vector<512x128xf32>,
    return
  }
  func.func @transform_0(%arg0: i32) -> (i32, i32, i32) {
    %c0_i32 = arith.constant 0 : i32
    %c0_i32_0 = arith.constant 0 : i32
    %c0_i32_1 = arith.constant 0 : i32
    return %c0_i32, %arg0, %c0_i32_0 : i32, i32, i32
  }
  func.func @transform_1(%arg0: i32) -> (i32, i32) {
    %c0_i32 = arith.constant 0 : i32
    %c0_i32_0 = arith.constant 0 : i32
    %c0_i32_1 = arith.constant 0 : i32
    return %c0_i32, %c0_i32_0 : i32, i32
  }
  func.func @transform_2(%arg0: i32) -> (i32, i32) {
    %c0_i32 = arith.constant 0 : i32
    %c0_i32_0 = arith.constant 0 : i32
    %c0_i32_1 = arith.constant 0 : i32
    return %c0_i32, %c0_i32_0 : i32, i32
  }
  func.func @transform_3(%arg0: i32) -> (i32, i32) {
    %c0_i32 = arith.constant 0 : i32
    %c0_i32_0 = arith.constant 0 : i32
    %c0_i32_1 = arith.constant 0 : i32
    return %c0_i32, %c0_i32_0 : i32, i32
  }
  func.func @transform_4(%arg0: i32) -> (i32, i32) {
    %c0_i32 = arith.constant 0 : i32
    %c0_i32_0 = arith.constant 0 : i32
    %c0_i32_1 = arith.constant 0 : i32
    return %c0_i32, %c0_i32_0 : i32, i32
  }
  func.func @transform_5(%arg0: i32) -> (i32, i32) {
    %c0_i32 = arith.constant 0 : i32
    %c0_i32_0 = arith.constant 0 : i32
    return %arg0, %c0_i32 : i32, i32
  }
}

</mosaic_0001>

<sc_bundles>
// kernel: kernel.10.cloned.1.call-start
scs
__scs_entry_jumppad:
0x0: {  	(pc) =	sbr.rel $0x88, $3  }
0x1: {  	(tag) =	ssettag $0x0;
	lr =	simm.s32 $0x1  }
0x2: {  	[smem:$0x3F99] =	sst lr;
	_ =	strace $0xD0000000  }
0x3: {  	_ = 	snop  }
0x4: {  	_ = 	snop  }
0x5: {  	_ = 	snop  }
0x6: {  	_ = 	snop  }
0x7: {  	_ = 	snop  }
__scs_overlays_trampoline_lowered:
0x8: {  	[smem:$0x3FA8] =	sst s0  }
0x9: {  	[smem:$0x3FA9] =	sst s1  }
0xa: {  	[smem:$0x3FAA] =	sst s2  }
0xb: {  	[smem:$0x3FAB] =	sst s3  }
0xc: {  	[smem:$0x3FAC] =	sst s4  }
0xd: {  	[smem:$0x3FAD] =	sst s5  }
0xe: {  	[smem:$0x3FAE] =	sst s6  }
0xf: {  	[smem:$0x3FAF] =	sst s7  }
0x10: {  	[smem:$0x3FB0] =	sst s8  }
0x11: {  	[smem:$0x3FB1] =	sst s9;
	s0 =	simm.s32 @!p0 $0x0  }
0x12: {  	s1 =	sld [smem:$0x3F97];
	s0 =	simm.s32 @p0 $0x1  }
0x13: {  	[smem:$0x3FB2] =	sst s0;
	s0 =	simm.s32 @!p1 $0x0  }
0x14: {  	s2 =	sld [smem:$0x3F96];
	s0 =	simm.s32 @p1 $0x1  }
0x15: {  	[smem:$0x3FB3] =	sst s0;
	s0 =	simm.s32 @!p2 $0x0  }
0x16: {  	s3 =	sld [smem:$0x3FDB];
	s0 =	simm.s32 @p2 $0x1  }
0x17: {  	s4 =	simm.s32 $0x1BF5;
	[smem:$0x3FB5] =	sst s0  }
0x18: {  	s0 =	sld [smem:$0x3F98];
	_ =	swait.ge [sflag:s4], $0x0  }
0x19: {  	s7 =	sld [smem:$0x3F99]  }
0x1a: {  	s8 =	sadd.s32 $0xFFFFE003, lr  }
0x1b: {  	s9 =	sadd.s32 $0xFFFFFEF7, lr;
	s5 =	simm.s32 $0xFFFFFFFF;
	p2 =	slt.u32 s8, $0xFFFFF086  }
0x1c: {  	p1 =	slt.u32 s9, $0xF7A;
	s5 =	simm.s32 @!p2 $0x0  }
0x1d: {  	s5 =	simm.s32 @p1 $0x1;
	p0 =	seq.s32 s7, s2  }
0x1e: {  	s7 =	smul.u32 @!p0 $0xF7A, s2;
	p2 =	seq.s32 @!p0 s5, $0x0  }
0x1f: {  	s9 =	smul.u32 $0xF7A, s1;
	s8 =	simm.s32 @!p0 $0x1BF5;
	p2 =	por !p2, p0  }
0x20: {  	[sflag:s8] =	ssyncset.s32 @!p0 $0xFFFFF086;
	s6 =	sadd.s32 @!p0 s3, s7;
	s7 =	simm.s32 @!p0 $0x108  }
0x21: {  	s3 =	sadd.s32 s3, s9;
	s6 =	sadd.s32 @!p0 $0x88, s6;
	s7 =	simm.s32 @p2 $0x1082  }
0x22: {  	[simem:s7], [sflag:s8] =	dma.local @!p0 [hbm:s6], $0xF7A  }
0x23: {  	s9 =	sor.u32 $0xD0000000, s2;
	s6 =	simm.s32 $0x108;
	_ =	swait.ge @!p0 [sflag:s8], $0x0  }
0x24: {  	s3 =	sadd.s32 $0x88, s3;
	s6 =	simm.s32 @!p1 $0x1082;
	[sflag:s4] =	ssyncset.s32 $0xFFFFF086  }
0x25: {  	[simem:s6], [sflag:s4] =	dma.local [hbm:s3], $0xF7A  }
0x26: {  	[smem:$0x3F99] =	sst s1;
	(tag) =	ssettag s2;
	_ =	strace s9  }
0x27: {  	s1 =	sld [smem:$0x3FA9]  }
0x28: {  	s2 =	sld [smem:$0x3FAA]  }
0x29: {  	s4 =	sld [smem:$0x3FAC]  }
0x2a: {  	p0 =	seq.s32 s5, $0x0;
	s5 =	sld [smem:$0x3FAD]  }
0x2b: {  	s6 =	sld [smem:$0x3FAE]  }
0x2c: {  	s7 =	sld [smem:$0x3FAF]  }
0x2d: {  	s3 =	simm.s32 $0x108;
	s8 =	sld [smem:$0x3FB0]  }
0x2e: {  	s3 =	simm.s32 @!p0 $0x1082;
	s9 =	sld [smem:$0x3FB1]  }
0x2f: {  	lr =	sadd.s32 s0, s3;
	s0 =	sld [smem:$0x3FA8]  }
0x30: {  	s3 =	sld [smem:$0x3FAB]  }
0x31: {  	[smem:$0x3FB4] =	sst s10  }
0x32: {  	s10 =	sld [smem:$0x3FB2];
	_ =	sdelay $0x3  }
0x33: {  	p0 =	seq.s32 s10, $0x1;
	s10 =	sld [smem:$0x3FB4];
	_ =	sdelay $0x3  }
0x34: {  	[smem:$0x3FB4] =	sst s10  }
0x35: {  	s10 =	sld [smem:$0x3FB3];
	_ =	sdelay $0x3  }
0x36: {  	p1 =	seq.s32 s10, $0x1;
	s10 =	sld [smem:$0x3FB4];
	_ =	sdelay $0x3  }
0x37: {  	[smem:$0x3FB4] =	sst s10  }
0x38: {  	s10 =	sld [smem:$0x3FB5]  }
0x39: {  	_ = 	snop;
	(pc) =	sbr.ind lr, $3  }
0x3a: {  	_ = 	snop  }
0x3b: {  	_ = 	snop  }
0x3c: {  	p2 =	seq.s32 s10, $0x1;
	s10 =	sld [smem:$0x3FB4]  }
0x3d: {  	_ =	shalt  }
0x3e: {  	_ =	shalt  }
0x3f: {  	_ =	shalt  }
0x40: {  	_ =	shalt  }
0x41: {  	_ =	shalt  }
0x42: {  	_ =	shalt  }
0x43: {  	_ =	shalt  }
0x44: {  	_ =	shalt  }
0x45: {  	_ =	shalt  }
0x46: {  	_ =	shalt  }
0x47: {  	_ =	shalt  }
0x48: {  	_ =	shalt  }
0x49: {  	_ =	shalt  }
0x4a: {  	_ =	shalt  }
0x4b: {  	_ =	shalt  }
0x4c: {  	_ =	shalt  }
0x4d: {  	_ =	shalt  }
0x4e: {  	_ =	shalt  }
0x4f: {  	_ =	shalt  }
0x50: {  	_ =	shalt  }
0x51: {  	_ =	shalt  }
0x52: {  	_ =	shalt  }
0x53: {  	_ =	shalt  }
0x54: {  	_ =	shalt  }
0x55: {  	_ =	shalt  }
0x56: {  	_ =	shalt  }
0x57: {  	_ =	shalt  }
0x58: {  	_ =	shalt  }
0x59: {  	_ =	shalt  }
0x5a: {  	_ =	shalt  }
0x5b: {  	_ =	shalt  }
0x5c: {  	_ =	shalt  }
0x5d: {  	_ =	shalt  }
0x5e: {  	_ =	shalt  }
0x5f: {  	_ =	shalt  }
0x60: {  	_ =	shalt  }
0x61: {  	_ =	shalt  }
0x62: {  	_ =	shalt  }
0x63: {  	_ =	shalt  }
0x64: {  	_ =	shalt  }
0x65: {  	_ =	shalt  }
0x66: {  	_ =	shalt  }
0x67: {  	_ =	shalt  }
0x68: {  	_ =	shalt  }
0x69: {  	_ =	shalt  }
0x6a: {  	_ =	shalt  }
0x6b: {  	_ =	shalt  }
0x6c: {  	_ =	shalt  }
0x6d: {  	_ =	shalt  }
0x6e: {  	_ =	shalt  }
0x6f: {  	_ =	shalt  }
0x70: {  	_ =	shalt  }
0x71: {  	_ =	shalt  }
0x72: {  	_ =	shalt  }
0x73: {  	_ =	shalt  }
0x74: {  	_ =	shalt  }
0x75: {  	_ =	shalt  }
0x76: {  	_ =	shalt  }
0x77: {  	_ =	shalt  }
0x78: {  	_ =	shalt  }
0x79: {  	_ =	shalt  }
0x7a: {  	_ =	shalt  }
0x7b: {  	_ =	shalt  }
0x7c: {  	_ =	shalt  }
0x7d: {  	_ =	shalt  }
0x7e: {  	_ =	shalt  }
0x7f: {  	_ =	shalt  }
0x80: {  	_ =	shalt  }
0x81: {  	_ =	shalt  }
0x82: {  	_ =	shalt  }
0x83: {  	_ =	shalt  }
0x84: {  	_ =	shalt  }
0x85: {  	_ =	shalt  }
0x86: {  	_ =	shalt  }
0x87: {  	_ =	shalt  }
.Lfunc_end0:
.L_simem_size_0:
called_computation.1_lowered:
.L_overlay_start_0:
0x88: {  	s2 =	sld [smem:$0x3FD9]  }
0x89: {  	s3 =	sld [smem:$0x3FFE];
	_ =	sdelay $0x1  }
0x8a: {  	s1 =	srdreg.scid  }
0x8b: {  	s0 =	sand.u32 $0x1, s1  }
0x8c: {  	s17 =	sshll.u32 s0, $0xA;
	s2 =	sadd.s32 s3, s2  }
0x8d: {  	s2 =	sadd.s32 s2, s17  }
0x8e: {  	[smem:$0x3FC0] =	sst s2  }
0x8f: {  	_ = 	snop  }
0x90: {  	s2 =	sld [smem:$0x3FD0];
	(tm) =	ssettm $0x1  }
0x91: {  	s18 =	sld [smem:$0x3FFB];
	_ =	sdelay $0x3  }
0x92: {  	_ =	strace s18  }
0x93: {  	s3 =	sld [smem:$0x3FFC];
	_ =	sdelay $0x3  }
0x94: {  	_ =	strace s3  }
0x95: {  	s3 =	sld [smem:$0x3FFD];
	_ =	sdelay $0x3  }
0x96: {  	_ =	strace s3  }
0x97: {  	_ =	strace $0x8FFFFFFF  }
0x98: {  	s19 =	sld [smem:$0x3FDB];
	_ =	sdelay $0x1  }
0x99: {  	s4 =	simm.s32 $_scs_section_size  }
0x9a: {  	s5 =	simm.s32 $_size__tile_overlayer_lowered;
	s6 =	simm.s32 $_tile_overlayer_lowered  }
0x9b: {  	s22 =	simm.s32 $0x1BFF;
	s21 =	sshll.u32 s6, $0x1;
	s3 =	sadd.s32 s4, s19  }
0x9c: {  	s7 =	simm.s32 $0x0;
	s20 =	sshll.u32 s5, $0x1;
	s5 =	sadd.s32 s21, s3  }
0x9d: {  	[timem:s7], [sflag:s22] =	dma.local [hbm:s5], s20  }
0x9e: {  	_ =	swait.ge [sflag:s22], s20  }
0x9f: {  	s4 =	ssub.s32 $0x0, s20;
	[sflag:s22] =	ssyncset.done $0x0  }
0xa0: {  	[sflag:s22] =	ssyncadd.s32 s4;
	_ =	sdelay $0x1  }
0xa1: {  	s23 =	simm.s32 $0x1B8B  }
0xa2: {  	_ =	swait.ge [sflag:s23], $0x1  }
0xa3: {  	[sflag:s23] =	ssyncset.done $0x0  }
0xa4: {  	s25 =	simm.s32 $0x1B8E;
	s24 =	sld [smem:$0x3FFE];
	[sflag:s23] =	ssyncadd.s32 $0xFFFFFFFF  }
0xa5: {  	s26 =	simm.s32 $execute0_lowered;
	[smem:$0x3FD2] =	sst s25  }
0xa6: {  	s5 =	sshll.u32 s26, $0x1;
	_ =	strace $0x80000049;
	[dreg:$0x1] =	wrdreg $0xFFFFFFFF  }
0xa7: {  	s28 =	simm.s32 $_size_execute0_lowered;
	s3 =	sadd.s32 s3, s5;
	[dreg:$0x0] =	wrdreg $0x0  }
0xa8: {  	s5 =	sshll.u32 s28, $0x1;
	[dreg:$0x2] =	wrdreg s3  }
0xa9: {  	[dreg:$0x3] =	wrdreg s5  }
0xaa: {  	[dreg:$0x4] =	wrdreg $0xC0  }
0xab: {  	_ =	task [dreg:s7], $0x5FFFF  }
0xac: {  	[dreg:$0x1] =	wrdreg $0xFFFFFFFF  }
0xad: {  	[dreg:$0x0] =	wrdreg $0x60  }
0xae: {  	[dreg:$0x2] =	wrdreg s24  }
0xaf: {  	[dreg:$0x3] =	wrdreg s2  }
0xb0: {  	[dreg:$0x4] =	wrdreg $0x82000  }
0xb1: {  	[dreg:$0x5] =	wrdreg $0x9  }
0xb2: {  	_ =	task.clear_ibuf [dreg:s7], $0x6FFFF;
	_ =	strace $0x90000049  }
0xb3: {  	s29 =	simm.s32 $0x9;
	_ =	strace $0x8000004B  }
0xb4: {  	_ =	swait.ge [sflag:s29], $0x1  }
0xb5: {  	[sflag:s29] =	ssyncadd.s32 $0xFFFFFFFF  }
0xb6: {  	_ =	strace $0x9000004B  }
0xb7: {  	_ =	sfence  }
0xb8: {  	s30 =	sld [smem:$0x0];
	_ =	sdelay $0x2  }
0xb9: {  	s31 =	sshll.u32 s1, $0xD;
	s1 =	sshrl.u32 s1, $0x2  }
0xba: {  	s3 =	sand.u32 $0x4000, s31;
	s1 =	sadd.s32 s1, s30  }
0xbb: {  	s0 =	sor.u32 s3, s0;
	s1 =	sshll.u32 s1, $0x11  }
0xbc: {  	s0 =	sor.u32 s1, s0  }
0xbd: {  	s0 =	sadd.s32 $0x8F2B, s0  }
0xbe: {  	[sflag:s0] =	ssyncadd.remote.s32 $0x1  }
0xbf: {  	_ =	sfence.sel $0xFFFF  }
0xc0: {  	[dreg:$0x0] =	wrdreg $0xFFFFFFFF;
	(pc) =	sbr.abs _section_cstart, $3  }
0xc1: {  	[dreg:$0x1] =	wrdreg $0xFFFFFFFF  }
0xc2: {  	_ =	task.clear_ibuf [dreg:s7], $0x2FFFF;
	_ =	strace $0x9FFFFFFF  }
0xc3: {  	(tm) =	ssettm $0x7FFFFFFF  }
tec
execute0_lowered:
.L_overlay_start_1:
0x0: {  	(tag) =	ssettag $0x1  }
0x1: {  	s1 =	rddreg [dreg:$0x0]  }
0x2: {  	s6 =	rddreg [dreg:$0x1]  }
0x3: {  	s0 =	srdreg.scid;
	s2 =	rddreg [dreg:$0x2];
	s3 =	simm.s32 $0x0  }
0x4: {  	s28 =	simm.s32 $0x4;
	s29 =	simm.s32 $0x4200;
	s7 =	sand.u32 $0x1, s0  }
0x5: {  	s30 =	simm.s32 $0x1;
	s0 =	stileid.u32;
	s4 =	smul.u32 $0x140000, s7  }
0x6: {  	s31 =	simm.s32 $0x2;
	[smem:$0x7FF] =	sst s3;
	s5 =	smul.u32 $0x14000, s0  }
0x7: {  	s20 =	sadd.s32 $0x1C00, s1;
	_ =	strace $0x8000004A;
	s9 =	smul.u32 $0x50000, s0  }
0x8: {  	s21 =	ssub.s32 $0x2, s7;
	s8 =	sshll.u32 s7, $0x4;
	s15 =	smul.u32 $0x2800, s0  }
0x9: {  	p0 =	seq.s32 s7, $0x1;
	s7 =	smul.u32 $0x28000, s7;
	s10 =	sshrl.u32 s21, $0x1  }
0xa: {  	s8 =	sor.u32 s0, s8;
	s4 =	sadd.s32 s5, s4;
	s16 =	ssub.s32 s21, s10  }
0xb: {  	s11 =	smul.u32 $0x2800, s8;
	s22 =	sshrl.u32 s9, $0x2;
	s7 =	sadd.s32 s15, s7  }
0xc: {  	s21 =	simm.s32 $0x200;
	s5 =	sshrl.u32 s4, $0x3;
	s4 =	sadd.s32 $0xBC00, s1  }
0xd: {  	s26 =	sor.u32 $0x180, s7;
	s7 =	sor.u32 $0x100, s7;
	s16 =	smax.u32 s16, $0x1  }
0xe: {  	s1 =	sadd.s32 s5, s1;
	s5 =	sadd.s32 s22, s2;
	s23 =	sadd.s32 s4, s15  }
0xf: {  	s13 =	sshrl.u32 s11, $0x3;
	s7 =	sshrl.u32 s7, $0x3;
	s22 =	simm.s32 $0x5  }
0x10: {  	[dreg:$0x4] =	wrdreg s23;
	s24 =	sadd.s32 $0x4000, s5;
	s25 =	sadd.s32 $0x8000, s5  }
0x11: {  	s9 =	sadd.s32 $0xC000, s5;
	s10 =	sadd.s32 $0x10000, s5;
	s11 =	sadd.s32 s20, s13  }
0x12: {  	s12 =	sadd.s32 s6, s13;
	s14 =	sor.u32 $0x10, s13;
	s15 =	sadd.s32 $0x33C00, s1  }
.Ltmp0:
0x13: {  	s1 =	sshrl.u32 s26, $0x3;
	s19 =	sadd.s32 s7, s6;
	(pc) =	sbr.rel .LBB2_1-.Ltmp0, $4  }
0x14: {  	s23 =	simm.s32 $0x100;
	s26 =	simm.s32 $0x3;
	[dreg:$0x5] =	wrdreg s24  }
0x15: {  	[dreg:$0x6] =	wrdreg s25;
	s13 =	sadd.s32 s20, s14;
	s14 =	sadd.s32 s6, s14  }
0x16: {  	s17 =	sadd.s32 s1, s6;
	s18 =	sadd.s32 s1, s20;
	s20 =	sadd.s32 s7, s20  }
0x17: {  	v0 =	vimm.f32 $0.0e+00;
	s24 =	simm.s32 $0x80;
	s25 =	simm.s32 $0x180;
	s1 =	simm.s32 $0x0  }
.LBB2_9:
0x18: {  	_ =	swait.ge [sflag:s31], $0x4000  }
0x19: {  	[sflag:s31] =	ssyncset.done $0x0  }
0x1a: {  	[sflag:s31] =	ssyncadd.s32 $0xFFFFC000  }
0x1b: {  	[spmem:s2] =	stream.indirect.scatter.add.f32 [tilespmem:s29], [sflag:$0x5], $0x80, s25, s24, $0xb8;
	[tilespmem:$0x1C200] =	vst v63  }
0x1c: {  	_ =	swait.ge [sflag:s22], $0x4000  }
0x1d: {  	s6 =	sshll.u32 s0, $0x6;
	s1 =	sadd.s32 $0x1, s1;
	[sflag:s22] =	ssyncset.done $0x0  }
0x1e: {  	s7 =	sshrl.u32 s5, $0x3;
	p1 =	sne.s32 s1, s16;
	[sflag:s22] =	ssyncadd.s32 $0xFFFFC000  }
.Ltmp1:
0x1f: {  	s6 =	sor.u32 $0x1C05, s6;
	[bflag:$0x0] =	sbarrier.arrive $0xFFFF;
	(pc) =	sbr.rel @!p1 .LBB2_10-.Ltmp1, $4  }
0x20: {  	[hbm:s15], [sflag:s6] =	dma.local [spmem:s7], $0x2800  }
0x21: {  	_ =	swait.ge [sflag:s22], $0x2800  }
0x22: {  	[sflag:s22] =	ssyncset.done $0x0  }
0x23: {  	[sflag:s22] =	ssyncadd.s32 $0xFFFFD800  }
.LBB2_1:
.Ltmp2:
0x24: {  	(pc) =	sbr.rel @!p0 .LBB2_2-.Ltmp2, $1  }
0x25: {  	_ =	sdelay $0x3  }
0x26: {  	s6 =	sshra.s32 s3, $0x2;
	s7 =	sadd.s32 $0x200, s3  }
.LBB2_4:
0x27: {  	p1 =	sne.s32 s7, $0xFE00;
	[tilespmem:s6+$0x270] =	vst v0  }
0x28: {  	[tilespmem:s6+$0x200] =	vst v0  }
0x29: {  	[tilespmem:s6+$0x210] =	vst v0  }
.Ltmp3:
0x2a: {  	[tilespmem:s6+$0x220] =	vst v0;
	(pc) =	sbr.rel @p1 .LBB2_4-.Ltmp3, $4  }
0x2b: {  	[tilespmem:s6+$0x230] =	vst v0  }
0x2c: {  	[tilespmem:s6+$0x240] =	vst v0  }
0x2d: {  	[tilespmem:s6+$0x250] =	vst v0  }
0x2e: {  	[tilespmem:s6+$0x260] =	vst v0;
	s6 =	sshra.s32 s7, $0x2;
	s7 =	sadd.s32 $0x200, s7  }
0x2f: {  	[tilespmem:s6+$0x270] =	vst v0  }
0x30: {  	[tilespmem:s6+$0x200] =	vst v0  }
0x31: {  	[tilespmem:s6+$0x210] =	vst v0  }
0x32: {  	[tilespmem:s6+$0x220] =	vst v0  }
0x33: {  	[tilespmem:s6+$0x230] =	vst v0  }
0x34: {  	[tilespmem:s6+$0x240] =	vst v0  }
0x35: {  	[tilespmem:s6+$0x250] =	vst v0  }
0x36: {  	[tilespmem:s6+$0x260] =	vst v0  }
0x37: {  	[spmem:s5] =	stream.linear.scatter [tilespmem:s21], [sflag:$0x5], $0x4000, $0x38;
	[tilespmem:$0x1C200] =	vst v63  }
0x38: {  	_ =	swait.ge [sflag:s22], $0x4000  }
0x39: {  	[sflag:s22] =	ssyncset.done $0x0  }
0x3a: {  	s7 =	rddreg [dreg:$0x5];
	[sflag:s22] =	ssyncadd.s32 $0xFFFFC000  }
0x3b: {  	[spmem:s7] =	stream.linear.scatter [tilespmem:s21], [sflag:$0x5], $0x4000, $0x38;
	[tilespmem:$0x1C200] =	vst v63  }
0x3c: {  	_ =	swait.ge [sflag:s22], $0x4000  }
0x3d: {  	[sflag:s22] =	ssyncset.done $0x0  }
0x3e: {  	s8 =	rddreg [dreg:$0x6];
	[sflag:s22] =	ssyncadd.s32 $0xFFFFC000  }
0x3f: {  	[spmem:s8] =	stream.linear.scatter [tilespmem:s21], [sflag:$0x5], $0x4000, $0x38;
	[tilespmem:$0x1C200] =	vst v63  }
0x40: {  	_ =	swait.ge [sflag:s22], $0x4000  }
0x41: {  	[sflag:s22] =	ssyncset.done $0x0  }
0x42: {  	[sflag:s22] =	ssyncadd.s32 $0xFFFFC000  }
0x43: {  	[spmem:s9] =	stream.linear.scatter [tilespmem:s21], [sflag:$0x5], $0x4000, $0x38;
	[tilespmem:$0x1C200] =	vst v63  }
0x44: {  	_ =	swait.ge [sflag:s22], $0x4000  }
0x45: {  	[sflag:s22] =	ssyncset.done $0x0  }
.Ltmp4:
0x46: {  	[sflag:s22] =	ssyncadd.s32 $0xFFFFC000;
	(pc) =	sbr.rel .LBB2_6-.Ltmp4, $4  }
0x47: {  	[spmem:s10] =	stream.linear.scatter [tilespmem:s21], [sflag:$0x5], $0x4000, $0x38;
	[tilespmem:$0x1C200] =	vst v63  }
0x48: {  	_ =	swait.ge [sflag:s22], $0x4000  }
0x49: {  	[sflag:s22] =	ssyncset.done $0x0  }
0x4a: {  	[sflag:s22] =	ssyncadd.s32 $0xFFFFC000  }
.LBB2_2:
0x4b: {  	s6 =	sshll.u32 s0, $0x6  }
0x4c: {  	s7 =	sshrl.u32 s5, $0x3;
	s8 =	rddreg [dreg:$0x4];
	s6 =	sor.u32 $0x1C05, s6  }
0x4d: {  	[spmem:s7], [sflag:s6] =	dma.local [hbm:s8], $0x2800  }
0x4e: {  	_ =	swait.ge [sflag:s22], $0x2800  }
0x4f: {  	[sflag:s22] =	ssyncset.done $0x0  }
0x50: {  	[sflag:s22] =	ssyncadd.s32 $0xFFFFD800  }
.LBB2_6:
0x51: {  	[bflag:$0x0] =	sbarrier.arrive $0xFFFF;
	s6 =	simm.s32 $0x0  }
0x52: {  	[tilespmem:s6], [sflag:$0x3] =	stream.linear.gather [hbm4b:s11+s6], $0x80, $0x38;
	[tilespmem:$0x1C200] =	vst v63  }
0x53: {  	_ = 	snop  }
0x54: {  	[tilespmem:s23], [sflag:$0x3] =	stream.linear.gather [hbm4b:s12+s6], $0x80, $0x38;
	[tilespmem:$0x1C200] =	vst v63  }
0x55: {  	_ = 	snop  }
0x56: {  	[tilespmem:s24], [sflag:$0x4] =	stream.linear.gather [hbm4b:s13+s6], $0x80, $0x38;
	[tilespmem:$0x1C200] =	vst v63  }
0x57: {  	_ = 	snop  }
0x58: {  	[tilespmem:s25], [sflag:$0x4] =	stream.linear.gather [hbm4b:s14+s6], $0x80, $0x38;
	[tilespmem:$0x1C200] =	vst v63  }
0x59: {  	_ =	swait.ge [sflag:s26], $0x80  }
0x5a: {  	[sflag:s26] =	ssyncset.done $0x0  }
0x5b: {  	[sflag:s26] =	ssyncadd.s32 $0xFFFFFF80  }
0x5c: {  	_ =	swait.ge [sflag:s26], $0x80  }
0x5d: {  	[sflag:s26] =	ssyncset.done $0x0  }
0x5e: {  	[sflag:s26] =	ssyncadd.s32 $0xFFFFFF80  }
0x5f: {  	[tilespmem:s21], [sflag:$0x1] =	stream.indirect.gather [hbm4b:s4+s24], $0x80, s6, s24, $0xb8;
	[tilespmem:$0x1C200] =	vst v63  }
.LBB2_7:
0x60: {  	_ =	swait.ge [sflag:s28], $0x80  }
0x61: {  	[sflag:s28] =	ssyncset.done $0x0  }
0x62: {  	[sflag:s28] =	ssyncadd.s32 $0xFFFFFF80  }
0x63: {  	_ =	swait.ge [sflag:s28], $0x80  }
0x64: {  	[sflag:s28] =	ssyncset.done $0x0  }
0x65: {  	[sflag:s28] =	ssyncadd.s32 $0xFFFFFF80  }
0x66: {  	[tilespmem:s29], [sflag:$0x2] =	stream.indirect.gather [hbm4b:s4+s24], $0x80, s24, s24, $0xb8;
	[tilespmem:$0x1C200] =	vst v63  }
0x67: {  	_ =	swait.ge [sflag:s30], $0x4000  }
0x68: {  	p1 =	seq.s32 s6, $0x4E0;
	[sflag:s30] =	ssyncset.done $0x0  }
0x69: {  	s7 =	sadd.s32 @!p1 s6, s20;
	s8 =	simm.s32 @!p1 $0x0;
	[sflag:s30] =	ssyncadd.s32 $0xFFFFC000  }
0x6a: {  	[tilespmem:s8], [sflag:$0x3] =	stream.linear.gather @!p1 [hbm4b:s7+s8], $0x80, $0x38;
	[tilespmem:$0x1C200] =	vst v63  }
.Ltmp5:
0x6b: {  	_ = 	snop;
	(pc) =	sbr.rel @p1 .LBB2_9-.Ltmp5, $4  }
0x6c: {  	[spmem:s2] =	stream.indirect.scatter.add.f32 [tilespmem:s21], [sflag:$0x5], $0x80, s23, s24, $0xb8;
	[tilespmem:$0x1C200] =	vst v63  }
0x6d: {  	_ =	swait.ge [sflag:s22], $0x4000  }
0x6e: {  	[sflag:s22] =	ssyncset.done $0x0  }
0x6f: {  	[sflag:s22] =	ssyncadd.s32 $0xFFFFC000  }
0x70: {  	s7 =	sadd.s32 s6, s19  }
0x71: {  	[tilespmem:s23], [sflag:$0x3] =	stream.linear.gather [hbm4b:s7+s3], $0x80, $0x38;
	[tilespmem:$0x1C200] =	vst v63  }
0x72: {  	_ =	swait.ge [sflag:s26], $0x80  }
0x73: {  	[sflag:s26] =	ssyncset.done $0x0  }
0x74: {  	[sflag:s26] =	ssyncadd.s32 $0xFFFFFF80  }
0x75: {  	_ =	swait.ge [sflag:s26], $0x80  }
0x76: {  	[sflag:s26] =	ssyncset.done $0x0  }
0x77: {  	[sflag:s26] =	ssyncadd.s32 $0xFFFFFF80  }
0x78: {  	[tilespmem:s21], [sflag:$0x1] =	stream.indirect.gather [hbm4b:s4+s24], $0x80, s3, s24, $0xb8;
	[tilespmem:$0x1C200] =	vst v63  }
0x79: {  	_ =	swait.ge [sflag:s31], $0x4000  }
0x7a: {  	[sflag:s31] =	ssyncset.done $0x0  }
0x7b: {  	s8 =	sadd.s32 s6, s18;
	[sflag:s31] =	ssyncadd.s32 $0xFFFFC000  }
0x7c: {  	[tilespmem:s24], [sflag:$0x4] =	stream.linear.gather [hbm4b:s8+s3], $0x80, $0x38;
	[tilespmem:$0x1C200] =	vst v63  }
0x7d: {  	_ = 	snop  }
0x7e: {  	[spmem:s2] =	stream.indirect.scatter.add.f32 [tilespmem:s29], [sflag:$0x5], $0x80, s25, s24, $0xb8;
	[tilespmem:$0x1C200] =	vst v63  }
.Ltmp6:
0x7f: {  	_ = 	snop;
	(pc) =	sbr.rel .LBB2_7-.Ltmp6, $4  }
0x80: {  	_ =	swait.ge [sflag:s22], $0x4000  }
0x81: {  	[sflag:s22] =	ssyncset.done $0x0  }
0x82: {  	s8 =	sadd.s32 s6, s17;
	s6 =	sadd.s32 $0x20, s6;
	[sflag:s22] =	ssyncadd.s32 $0xFFFFC000  }
0x83: {  	[tilespmem:s25], [sflag:$0x4] =	stream.linear.gather [hbm4b:s8+s3], $0x80, $0x38;
	[tilespmem:$0x1C200] =	vst v63  }
.LBB2_10:
0x84: {  	_ =	sfence.sel $0x180000  }
0x85: {  	[bflag:$0x0] =	sbarrier.arrive $0xFFFF  }
0x86: {  	_ =	strace $0x9000004A  }
0x87: {  	[bflag:$0x2] =	sbarrier.arrive $0xFFFF  }
0x88: {  	p0 =	sne.s32 s0, $0x0;
	s0 =	rddreg [dreg:$0x3]  }
0x89: {  	s0 =	sadd.s32 @!p0 $0x100000, s0  }
0x8a: {  	[sflag:s0] =	ssyncadd.tile.s32 @!p0 $0x1;
	_ =	shalt  }
.Lfunc_end2:
_tile_overlayer_lowered:
.L_overlay_start_2:
0x8b: {  	(tag) =	ssettag $0x2  }
0x8c: {  	s0 =	rddreg [dreg:$0x0];
	s2 =	stileid.u32  }
0x8d: {  	s1 =	rddreg [dreg:$0x1];
	p0 =	sne.s32 s2, $0x0  }
0x8e: {  	s3 =	rddreg [dreg:$0x2];
	[bflag:$0x3] =	sbarrier.arrive $0xFFFF;
	s2 =	simm.s32 @!p0 $0x1C05  }
0x8f: {  	[timem:s3], [sflag:s2] =	dma.local @!p0 [hbm:s0], s1  }
0x90: {  	s0 =	simm.s32 @!p0 $0x5  }
0x91: {  	_ =	swait.ge @!p0 [sflag:s0], s1  }
0x92: {  	s1 =	ssub.s32 @!p0 $0x0, s1;
	[sflag:s0] =	ssyncset.done @!p0 $0x0  }
0x93: {  	[sflag:s0] =	ssyncadd.s32 @!p0 s1  }
0x94: {  	[bflag:$0x3] =	sbarrier.arrive $0xFFFF  }
0x95: {  	_ =	shalt  }

// kernel: kernel.7.cloned.1.call-start
scs
__scs_entry_jumppad:
0x0: {  	(pc) =	sbr.rel $0x88, $3  }
0x1: {  	(tag) =	ssettag $0x0;
	lr =	simm.s32 $0x1  }
0x2: {  	[smem:$0x3F99] =	sst lr;
	_ =	strace $0xD0000000  }
0x3: {  	_ = 	snop  }
0x4: {  	_ = 	snop  }
0x5: {  	_ = 	snop  }
0x6: {  	_ = 	snop  }
0x7: {  	_ = 	snop  }
__scs_overlays_trampoline_lowered:
0x8: {  	[smem:$0x3FA8] =	sst s0  }
0x9: {  	[smem:$0x3FA9] =	sst s1  }
0xa: {  	[smem:$0x3FAA] =	sst s2  }
0xb: {  	[smem:$0x3FAB] =	sst s3  }
0xc: {  	[smem:$0x3FAC] =	sst s4  }
0xd: {  	[smem:$0x3FAD] =	sst s5  }
0xe: {  	[smem:$0x3FAE] =	sst s6  }
0xf: {  	[smem:$0x3FAF] =	sst s7  }
0x10: {  	[smem:$0x3FB0] =	sst s8  }
0x11: {  	[smem:$0x3FB1] =	sst s9;
	s0 =	simm.s32 @!p0 $0x0  }
0x12: {  	s1 =	sld [smem:$0x3F97];
	s0 =	simm.s32 @p0 $0x1  }
0x13: {  	[smem:$0x3FB2] =	sst s0;
	s0 =	simm.s32 @!p1 $0x0  }
0x14: {  	s2 =	sld [smem:$0x3F96];
	s0 =	simm.s32 @p1 $0x1  }
0x15: {  	[smem:$0x3FB3] =	sst s0;
	s0 =	simm.s32 @!p2 $0x0  }
0x16: {  	s3 =	sld [smem:$0x3FDB];
	s0 =	simm.s32 @p2 $0x1  }
0x17: {  	s4 =	simm.s32 $0x1BF5;
	[smem:$0x3FB5] =	sst s0  }
0x18: {  	s0 =	sld [smem:$0x3F98];
	_ =	swait.ge [sflag:s4], $0x0  }
0x19: {  	s7 =	sld [smem:$0x3F99]  }
0x1a: {  	s8 =	sadd.s32 $0xFFFFE003, lr  }
0x1b: {  	s9 =	sadd.s32 $0xFFFFFEF7, lr;
	s5 =	simm.s32 $0xFFFFFFFF;
	p2 =	slt.u32 s8, $0xFFFFF086  }
0x1c: {  	p1 =	slt.u32 s9, $0xF7A;
	s5 =	simm.s32 @!p2 $0x0  }
0x1d: {  	s5 =	simm.s32 @p1 $0x1;
	p0 =	seq.s32 s7, s2  }
0x1e: {  	s7 =	smul.u32 @!p0 $0xF7A, s2;
	p2 =	seq.s32 @!p0 s5, $0x0  }
0x1f: {  	s9 =	smul.u32 $0xF7A, s1;
	s8 =	simm.s32 @!p0 $0x1BF5;
	p2 =	por !p2, p0  }
0x20: {  	[sflag:s8] =	ssyncset.s32 @!p0 $0xFFFFF086;
	s6 =	sadd.s32 @!p0 s3, s7;
	s7 =	simm.s32 @!p0 $0x108  }
0x21: {  	s3 =	sadd.s32 s3, s9;
	s6 =	sadd.s32 @!p0 $0x88, s6;
	s7 =	simm.s32 @p2 $0x1082  }
0x22: {  	[simem:s7], [sflag:s8] =	dma.local @!p0 [hbm:s6], $0xF7A  }
0x23: {  	s9 =	sor.u32 $0xD0000000, s2;
	s6 =	simm.s32 $0x108;
	_ =	swait.ge @!p0 [sflag:s8], $0x0  }
0x24: {  	s3 =	sadd.s32 $0x88, s3;
	s6 =	simm.s32 @!p1 $0x1082;
	[sflag:s4] =	ssyncset.s32 $0xFFFFF086  }
0x25: {  	[simem:s6], [sflag:s4] =	dma.local [hbm:s3], $0xF7A  }
0x26: {  	[smem:$0x3F99] =	sst s1;
	(tag) =	ssettag s2;
	_ =	strace s9  }
0x27: {  	s1 =	sld [smem:$0x3FA9]  }
0x28: {  	s2 =	sld [smem:$0x3FAA]  }
0x29: {  	s4 =	sld [smem:$0x3FAC]  }
0x2a: {  	p0 =	seq.s32 s5, $0x0;
	s5 =	sld [smem:$0x3FAD]  }
0x2b: {  	s6 =	sld [smem:$0x3FAE]  }
0x2c: {  	s7 =	sld [smem:$0x3FAF]  }
0x2d: {  	s3 =	simm.s32 $0x108;
	s8 =	sld [smem:$0x3FB0]  }
0x2e: {  	s3 =	simm.s32 @!p0 $0x1082;
	s9 =	sld [smem:$0x3FB1]  }
0x2f: {  	lr =	sadd.s32 s0, s3;
	s0 =	sld [smem:$0x3FA8]  }
0x30: {  	s3 =	sld [smem:$0x3FAB]  }
0x31: {  	[smem:$0x3FB4] =	sst s10  }
0x32: {  	s10 =	sld [smem:$0x3FB2];
	_ =	sdelay $0x3  }
0x33: {  	p0 =	seq.s32 s10, $0x1;
	s10 =	sld [smem:$0x3FB4];
	_ =	sdelay $0x3  }
0x34: {  	[smem:$0x3FB4] =	sst s10  }
0x35: {  	s10 =	sld [smem:$0x3FB3];
	_ =	sdelay $0x3  }
0x36: {  	p1 =	seq.s32 s10, $0x1;
	s10 =	sld [smem:$0x3FB4];
	_ =	sdelay $0x3  }
0x37: {  	[smem:$0x3FB4] =	sst s10  }
0x38: {  	s10 =	sld [smem:$0x3FB5]  }
0x39: {  	_ = 	snop;
	(pc) =	sbr.ind lr, $3  }
0x3a: {  	_ = 	snop  }
0x3b: {  	_ = 	snop  }
0x3c: {  	p2 =	seq.s32 s10, $0x1;
	s10 =	sld [smem:$0x3FB4]  }
0x3d: {  	_ =	shalt  }
0x3e: {  	_ =	shalt  }
0x3f: {  	_ =	shalt  }
0x40: {  	_ =	shalt  }
0x41: {  	_ =	shalt  }
0x42: {  	_ =	shalt  }
0x43: {  	_ =	shalt  }
0x44: {  	_ =	shalt  }
0x45: {  	_ =	shalt  }
0x46: {  	_ =	shalt  }
0x47: {  	_ =	shalt  }
0x48: {  	_ =	shalt  }
0x49: {  	_ =	shalt  }
0x4a: {  	_ =	shalt  }
0x4b: {  	_ =	shalt  }
0x4c: {  	_ =	shalt  }
0x4d: {  	_ =	shalt  }
0x4e: {  	_ =	shalt  }
0x4f: {  	_ =	shalt  }
0x50: {  	_ =	shalt  }
0x51: {  	_ =	shalt  }
0x52: {  	_ =	shalt  }
0x53: {  	_ =	shalt  }
0x54: {  	_ =	shalt  }
0x55: {  	_ =	shalt  }
0x56: {  	_ =	shalt  }
0x57: {  	_ =	shalt  }
0x58: {  	_ =	shalt  }
0x59: {  	_ =	shalt  }
0x5a: {  	_ =	shalt  }
0x5b: {  	_ =	shalt  }
0x5c: {  	_ =	shalt  }
0x5d: {  	_ =	shalt  }
0x5e: {  	_ =	shalt  }
0x5f: {  	_ =	shalt  }
0x60: {  	_ =	shalt  }
0x61: {  	_ =	shalt  }
0x62: {  	_ =	shalt  }
0x63: {  	_ =	shalt  }
0x64: {  	_ =	shalt  }
0x65: {  	_ =	shalt  }
0x66: {  	_ =	shalt  }
0x67: {  	_ =	shalt  }
0x68: {  	_ =	shalt  }
0x69: {  	_ =	shalt  }
0x6a: {  	_ =	shalt  }
0x6b: {  	_ =	shalt  }
0x6c: {  	_ =	shalt  }
0x6d: {  	_ =	shalt  }
0x6e: {  	_ =	shalt  }
0x6f: {  	_ =	shalt  }
0x70: {  	_ =	shalt  }
0x71: {  	_ =	shalt  }
0x72: {  	_ =	shalt  }
0x73: {  	_ =	shalt  }
0x74: {  	_ =	shalt  }
0x75: {  	_ =	shalt  }
0x76: {  	_ =	shalt  }
0x77: {  	_ =	shalt  }
0x78: {  	_ =	shalt  }
0x79: {  	_ =	shalt  }
0x7a: {  	_ =	shalt  }
0x7b: {  	_ =	shalt  }
0x7c: {  	_ =	shalt  }
0x7d: {  	_ =	shalt  }
0x7e: {  	_ =	shalt  }
0x7f: {  	_ =	shalt  }
0x80: {  	_ =	shalt  }
0x81: {  	_ =	shalt  }
0x82: {  	_ =	shalt  }
0x83: {  	_ =	shalt  }
0x84: {  	_ =	shalt  }
0x85: {  	_ =	shalt  }
0x86: {  	_ =	shalt  }
0x87: {  	_ =	shalt  }
.Lfunc_end0:
.L_simem_size_0:
called_computation_lowered:
.L_overlay_start_0:
0x88: {  	s2 =	sld [smem:$0x3FD9]  }
0x89: {  	s3 =	sld [smem:$0x3FFE];
	_ =	sdelay $0x1  }
0x8a: {  	s1 =	srdreg.scid  }
0x8b: {  	s0 =	sand.u32 $0x1, s1  }
0x8c: {  	s17 =	sshll.u32 s0, $0xA;
	s2 =	sadd.s32 s3, s2  }
0x8d: {  	s2 =	sadd.s32 s2, s17  }
0x8e: {  	[smem:$0x3FC0] =	sst s2  }
0x8f: {  	_ = 	snop  }
0x90: {  	s2 =	sld [smem:$0x3FD0];
	(tm) =	ssettm $0x1  }
0x91: {  	s18 =	sld [smem:$0x3FFB];
	_ =	sdelay $0x3  }
0x92: {  	_ =	strace s18  }
0x93: {  	s3 =	sld [smem:$0x3FFC];
	_ =	sdelay $0x3  }
0x94: {  	_ =	strace s3  }
0x95: {  	s3 =	sld [smem:$0x3FFD];
	_ =	sdelay $0x3  }
0x96: {  	_ =	strace s3  }
0x97: {  	_ =	strace $0x8FFFFFFF  }
0x98: {  	s19 =	sld [smem:$0x3FDB];
	_ =	sdelay $0x1  }
0x99: {  	s4 =	simm.s32 $_scs_section_size  }
0x9a: {  	s5 =	simm.s32 $_size__tile_overlayer_lowered;
	s6 =	simm.s32 $_tile_overlayer_lowered  }
0x9b: {  	s22 =	simm.s32 $0x1BFF;
	s21 =	sshll.u32 s6, $0x1;
	s3 =	sadd.s32 s4, s19  }
0x9c: {  	s7 =	simm.s32 $0x0;
	s20 =	sshll.u32 s5, $0x1;
	s5 =	sadd.s32 s21, s3  }
0x9d: {  	[timem:s7], [sflag:s22] =	dma.local [hbm:s5], s20  }
0x9e: {  	_ =	swait.ge [sflag:s22], s20  }
0x9f: {  	s4 =	ssub.s32 $0x0, s20;
	[sflag:s22] =	ssyncset.done $0x0  }
0xa0: {  	[sflag:s22] =	ssyncadd.s32 s4;
	_ =	sdelay $0x1  }
0xa1: {  	s23 =	simm.s32 $0x1B8B  }
0xa2: {  	_ =	swait.ge [sflag:s23], $0x1  }
0xa3: {  	[sflag:s23] =	ssyncset.done $0x0  }
0xa4: {  	s25 =	simm.s32 $0x1B8E;
	s24 =	sld [smem:$0x3FFE];
	[sflag:s23] =	ssyncadd.s32 $0xFFFFFFFF  }
0xa5: {  	s26 =	simm.s32 $execute0_lowered;
	[smem:$0x3FD2] =	sst s25  }
0xa6: {  	s5 =	sshll.u32 s26, $0x1;
	_ =	strace $0x80000046;
	[dreg:$0x1] =	wrdreg $0xFFFFFFFF  }
0xa7: {  	s28 =	simm.s32 $_size_execute0_lowered;
	s3 =	sadd.s32 s3, s5;
	[dreg:$0x0] =	wrdreg $0x0  }
0xa8: {  	s5 =	sshll.u32 s28, $0x1;
	[dreg:$0x2] =	wrdreg s3  }
0xa9: {  	[dreg:$0x3] =	wrdreg s5  }
0xaa: {  	[dreg:$0x4] =	wrdreg $0xC0  }
0xab: {  	_ =	task [dreg:s7], $0x5FFFF  }
0xac: {  	[dreg:$0x1] =	wrdreg $0xFFFFFFFF  }
0xad: {  	[dreg:$0x0] =	wrdreg $0x60  }
0xae: {  	[dreg:$0x2] =	wrdreg s2  }
0xaf: {  	[dreg:$0x3] =	wrdreg s24  }
0xb0: {  	[dreg:$0x4] =	wrdreg $0x4000  }
0xb1: {  	[dreg:$0x5] =	wrdreg $0x9  }
0xb2: {  	_ =	task.clear_ibuf [dreg:s7], $0x6FFFF;
	_ =	strace $0x90000046  }
0xb3: {  	s29 =	simm.s32 $0x9;
	_ =	strace $0x80000048  }
0xb4: {  	_ =	swait.ge [sflag:s29], $0x1  }
0xb5: {  	[sflag:s29] =	ssyncadd.s32 $0xFFFFFFFF  }
0xb6: {  	_ =	strace $0x90000048  }
0xb7: {  	_ =	sfence  }
0xb8: {  	s30 =	sld [smem:$0x0];
	_ =	sdelay $0x2  }
0xb9: {  	s31 =	sshll.u32 s1, $0xD;
	s1 =	sshrl.u32 s1, $0x2  }
0xba: {  	s3 =	sand.u32 $0x4000, s31;
	s1 =	sadd.s32 s1, s30  }
0xbb: {  	s0 =	sor.u32 s3, s0;
	s1 =	sshll.u32 s1, $0x11  }
0xbc: {  	s0 =	sor.u32 s1, s0  }
0xbd: {  	s0 =	sadd.s32 $0x8F2B, s0  }
0xbe: {  	[sflag:s0] =	ssyncadd.remote.s32 $0x1  }
0xbf: {  	_ =	sfence.sel $0xFFFF  }
0xc0: {  	[dreg:$0x0] =	wrdreg $0xFFFFFFFF;
	(pc) =	sbr.abs _section_cstart, $3  }
0xc1: {  	[dreg:$0x1] =	wrdreg $0xFFFFFFFF  }
0xc2: {  	_ =	task.clear_ibuf [dreg:s7], $0x2FFFF;
	_ =	strace $0x9FFFFFFF  }
0xc3: {  	(tm) =	ssettm $0x7FFFFFFF  }
tec
execute0_lowered:
.L_overlay_start_1:
0x0: {  	(tag) =	ssettag $0x1  }
0x1: {  	s10 =	rddreg [dreg:$0x0]  }
0x2: {  	s4 =	rddreg [dreg:$0x1];
	s0 =	srdreg.scid  }
0x3: {  	s2 =	rddreg [dreg:$0x2];
	s1 =	stileid.u32  }
0x4: {  	s3 =	simm.s32 $0x0;
	s13 =	simm.s32 $0x80;
	s14 =	simm.s32 $0x1  }
0x5: {  	s15 =	simm.s32 $0x100;
	s16 =	simm.s32 $0x2;
	s19 =	simm.s32 $0x20  }
0x6: {  	s20 =	simm.s32 $0x10;
	s21 =	simm.s32 $0x0;
	s7 =	smul.u32 $0x500, s1  }
0x7: {  	s5 =	sand.u32 $0x1, s0;
	s0 =	rddreg [dreg:$0x3];
	s25 =	smul.u32 $0xA00, s1  }
0x8: {  	[smem:$0x7FF] =	sst s3;
	s12 =	smul.u32 $0x2800, s1;
	s17 =	sshll.u32 s1, $0x6  }
0x9: {  	s6 =	sshll.u32 s5, $0x4;
	s8 =	sshll.u32 s5, $0x7;
	_ =	strace $0x80000047  }
0xa: {  	s9 =	ssub.s32 $0x2, s5;
	s11 =	smul.u32 $0x28000, s5;
	s17 =	sor.u32 $0x1C03, s17  }
0xb: {  	s6 =	sor.u32 s1, s6;
	s7 =	sor.u32 s8, s7;
	s26 =	sshrl.u32 s9, $0x1  }
0xc: {  	s28 =	sshrl.u32 s25, $0x2;
	s6 =	smul.u32 $0x2800, s6;
	s7 =	sshrl.u32 s7, $0x3  }
0xd: {  	s9 =	ssub.s32 s9, s26;
	s30 =	sadd.s32 s12, s11;
	s12 =	simm.s32 $0x3  }
0xe: {  	s7 =	sadd.s32 s7, s4;
	s4 =	sadd.s32 s28, s2;
	s11 =	sor.u32 $0x180, s30  }
0xf: {  	s8 =	sor.u32 $0x100, s30;
	s29 =	sshrl.u32 s6, $0x3;
	s7 =	sadd.s32 $0xBC00, s7  }
0x10: {  	s11 =	sshrl.u32 s11, $0x3;
	s31 =	sshrl.u32 s8, $0x3;
	s8 =	smax.u32 s9, $0x1  }
0x11: {  	s18 =	sshrl.u32 s4, $0x3;
	s5 =	sadd.s32 s10, s29;
	s9 =	sadd.s32 s11, s10  }
0x12: {  	v0 =	vimm.f32 $1.000000000e+00;
	v1 =	vimm.f32 $0.0e+00;
	s10 =	sadd.s32 s31, s10;
	s11 =	simm.s32 $0x180;
	s6 =	sadd.s32 $0x10, s5  }
.LBB2_1:
0x13: {  	[tilespmem:$0x100] =	vst v0  }
0x14: {  	[tilespmem:$0x110] =	vst v0  }
0x15: {  	[tilespmem:$0x120] =	vst v0  }
0x16: {  	[tilespmem:$0x130] =	vst v0  }
0x17: {  	[tilespmem:$0x140] =	vst v0  }
0x18: {  	[tilespmem:$0x150] =	vst v0  }
0x19: {  	[tilespmem:$0x160] =	vst v0  }
0x1a: {  	[tilespmem:$0x170] =	vst v0  }
0x1b: {  	[tilespmem:$0x180] =	vst v1  }
0x1c: {  	[tilespmem:$0x190] =	vst v1  }
0x1d: {  	[tilespmem:$0x1A0] =	vst v1  }
0x1e: {  	[tilespmem:$0x1B0] =	vst v1  }
0x1f: {  	[tilespmem:$0x1C0] =	vst v1  }
0x20: {  	[tilespmem:$0x1D0] =	vst v1  }
0x21: {  	[tilespmem:$0x1E0] =	vst v1  }
0x22: {  	[tilespmem:$0x1F0] =	vst v1  }
0x23: {  	[tilespmem:$0x200] =	vst v1  }
0x24: {  	[tilespmem:$0x210] =	vst v1  }
0x25: {  	[tilespmem:$0x220] =	vst v1  }
0x26: {  	[tilespmem:$0x230] =	vst v1  }
0x27: {  	[tilespmem:$0x240] =	vst v1  }
0x28: {  	[tilespmem:$0x250] =	vst v1  }
0x29: {  	[tilespmem:$0x260] =	vst v1  }
0x2a: {  	[tilespmem:$0x270] =	vst v1  }
0x2b: {  	[tilespmem:$0x280] =	vst v1  }
0x2c: {  	[tilespmem:$0x290] =	vst v1  }
0x2d: {  	[tilespmem:$0x2A0] =	vst v1  }
0x2e: {  	[tilespmem:$0x2B0] =	vst v1  }
0x2f: {  	[tilespmem:$0x2C0] =	vst v1  }
0x30: {  	[tilespmem:$0x2D0] =	vst v1  }
0x31: {  	[tilespmem:$0x2E0] =	vst v1  }
0x32: {  	[tilespmem:$0x2F0] =	vst v1  }
0x33: {  	[tilespmem:$0x300] =	vst v1  }
0x34: {  	[tilespmem:$0x310] =	vst v1  }
0x35: {  	[tilespmem:$0x320] =	vst v1  }
0x36: {  	[tilespmem:$0x330] =	vst v1  }
0x37: {  	[tilespmem:$0x340] =	vst v1  }
0x38: {  	[tilespmem:$0x350] =	vst v1  }
0x39: {  	[tilespmem:$0x360] =	vst v1  }
0x3a: {  	[tilespmem:$0x370] =	vst v1  }
0x3b: {  	[tilespmem:$0x380] =	vst v1  }
0x3c: {  	[tilespmem:$0x390] =	vst v1  }
0x3d: {  	[tilespmem:$0x3A0] =	vst v1  }
0x3e: {  	[tilespmem:$0x3B0] =	vst v1  }
0x3f: {  	[tilespmem:$0x3C0] =	vst v1  }
0x40: {  	[tilespmem:$0x3D0] =	vst v1  }
0x41: {  	[tilespmem:$0x3E0] =	vst v1  }
0x42: {  	[tilespmem:$0x3F0] =	vst v1  }
0x43: {  	[spmem:s4] =	stream.linear.scatter [tilespmem:s11], [sflag:$0x3], $0x280, $0x38;
	[tilespmem:$0x680] =	vst v63  }
0x44: {  	_ =	swait.ge [sflag:s12], $0x280  }
0x45: {  	[sflag:s12] =	ssyncset.done $0x0  }
0x46: {  	[sflag:s12] =	ssyncadd.s32 $0xFFFFFD80  }
0x47: {  	[bflag:$0x0] =	sbarrier.arrive $0xFFFF  }
0x48: {  	[tilespmem:s3], [sflag:$0x1] =	stream.linear.gather [hbm4b:s5+s3], $0x80, $0x38;
	[tilespmem:$0x680] =	vst v63  }
0x49: {  	_ = 	snop  }
0x4a: {  	[tilespmem:s13], [sflag:$0x2] =	stream.linear.gather [hbm4b:s6+s3], $0x80, $0x38;
	[tilespmem:$0x680] =	vst v63  }
0x4b: {  	_ =	swait.ge [sflag:s14], $0x80  }
0x4c: {  	[sflag:s14] =	ssyncset.done $0x0  }
0x4d: {  	[sflag:s14] =	ssyncadd.s32 $0xFFFFFF80  }
0x4e: {  	[spmem:s2] =	stream.indirect.scatter.add.f32 [tilespmem:s15], [sflag:$0x3], $0x1, s3, s13, $0xb8;
	[tilespmem:$0x680] =	vst v63  }
0x4f: {  	_ =	swait.ge [sflag:s12], $0x80  }
0x50: {  	[sflag:s12] =	ssyncset.done $0x0  }
0x51: {  	s22 =	sadd.s32 $0x0, s10;
	[sflag:s12] =	ssyncadd.s32 $0xFFFFFF80  }
0x52: {  	[tilespmem:s3], [sflag:$0x1] =	stream.linear.gather [hbm4b:s22+s3], $0x80, $0x38;
	[tilespmem:$0x680] =	vst v63  }
0x53: {  	_ =	swait.ge [sflag:s16], $0x80  }
0x54: {  	[sflag:s16] =	ssyncset.done $0x0  }
0x55: {  	[sflag:s16] =	ssyncadd.s32 $0xFFFFFF80  }
0x56: {  	[spmem:s2] =	stream.indirect.scatter.add.f32 [tilespmem:s15], [sflag:$0x3], $0x1, s13, s13, $0xb8;
	[tilespmem:$0x680] =	vst v63  }
0x57: {  	_ =	swait.ge [sflag:s12], $0x80  }
0x58: {  	[sflag:s12] =	ssyncset.done $0x0  }
0x59: {  	s23 =	sadd.s32 $0x0, s9;
	s22 =	simm.s32 $0x20;
	[sflag:s12] =	ssyncadd.s32 $0xFFFFFF80  }
.LBB2_2:
0x5a: {  	[tilespmem:s13], [sflag:$0x2] =	stream.linear.gather [hbm4b:s23+s3], $0x80, $0x38;
	[tilespmem:$0x680] =	vst v63  }
0x5b: {  	s23 =	smov.u32 s22  }
0x5c: {  	p0 =	sne.s32 s22, $0x4C0;
	s22 =	sadd.s32 $0x20, s22;
	_ =	swait.ge [sflag:s14], $0x80  }
0x5d: {  	[sflag:s14] =	ssyncset.done $0x0  }
0x5e: {  	[sflag:s14] =	ssyncadd.s32 $0xFFFFFF80  }
0x5f: {  	[spmem:s2] =	stream.indirect.scatter.add.f32 [tilespmem:s15], [sflag:$0x3], $0x1, s3, s13, $0xb8;
	[tilespmem:$0x680] =	vst v63  }
0x60: {  	_ =	swait.ge [sflag:s12], $0x80  }
0x61: {  	[sflag:s12] =	ssyncset.done $0x0  }
0x62: {  	s24 =	sadd.s32 s23, s10;
	[sflag:s12] =	ssyncadd.s32 $0xFFFFFF80  }
0x63: {  	[tilespmem:s3], [sflag:$0x1] =	stream.linear.gather [hbm4b:s24+s3], $0x80, $0x38;
	[tilespmem:$0x680] =	vst v63  }
0x64: {  	_ =	swait.ge [sflag:s16], $0x80  }
0x65: {  	[sflag:s16] =	ssyncset.done $0x0  }
.Ltmp0:
0x66: {  	[sflag:s16] =	ssyncadd.s32 $0xFFFFFF80;
	(pc) =	sbr.rel @p0 .LBB2_2-.Ltmp0, $4  }
0x67: {  	[spmem:s2] =	stream.indirect.scatter.add.f32 [tilespmem:s15], [sflag:$0x3], $0x1, s13, s13, $0xb8;
	[tilespmem:$0x680] =	vst v63  }
0x68: {  	_ =	swait.ge [sflag:s12], $0x80  }
0x69: {  	[sflag:s12] =	ssyncset.done $0x0  }
0x6a: {  	s23 =	sadd.s32 s23, s9;
	[sflag:s12] =	ssyncadd.s32 $0xFFFFFF80  }
0x6b: {  	[tilespmem:s13], [sflag:$0x2] =	stream.linear.gather [hbm4b:s23+s3], $0x80, $0x38;
	[tilespmem:$0x680] =	vst v63  }
0x6c: {  	_ =	swait.ge [sflag:s14], $0x80  }
0x6d: {  	[sflag:s14] =	ssyncset.done $0x0  }
0x6e: {  	[sflag:s14] =	ssyncadd.s32 $0xFFFFFF80  }
0x6f: {  	[spmem:s2] =	stream.indirect.scatter.add.f32 [tilespmem:s15], [sflag:$0x3], $0x1, s3, s13, $0xb8;
	[tilespmem:$0x680] =	vst v63  }
0x70: {  	_ =	swait.ge [sflag:s12], $0x80  }
0x71: {  	[sflag:s12] =	ssyncset.done $0x0  }
0x72: {  	[sflag:s12] =	ssyncadd.s32 $0xFFFFFF80  }
0x73: {  	_ =	swait.ge [sflag:s16], $0x80  }
0x74: {  	[sflag:s16] =	ssyncset.done $0x0  }
0x75: {  	[sflag:s16] =	ssyncadd.s32 $0xFFFFFF80  }
0x76: {  	[spmem:s2] =	stream.indirect.scatter.add.f32 [tilespmem:s15], [sflag:$0x3], $0x1, s13, s13, $0xb8;
	[tilespmem:$0x680] =	vst v63  }
0x77: {  	_ =	swait.ge [sflag:s12], $0x80  }
0x78: {  	s21 =	sadd.s32 $0x1, s21;
	[sflag:s12] =	ssyncset.done $0x0  }
0x79: {  	p0 =	sne.s32 s21, s8;
	[sflag:s12] =	ssyncadd.s32 $0xFFFFFF80  }
.Ltmp1:
0x7a: {  	[bflag:$0x0] =	sbarrier.arrive $0xFFFF;
	(pc) =	sbr.rel @p0 .LBB2_1-.Ltmp1, $4  }
0x7b: {  	[hbm:s7@s19], [sflag:s17] =	dma.strided [spmem:s18@s20], $0x50, s14, $0x10   }
0x7c: {  	_ =	swait.ge [sflag:s12], $0x50  }
0x7d: {  	[sflag:s12] =	ssyncset.done $0x0  }
0x7e: {  	[sflag:s12] =	ssyncadd.s32 $0xFFFFFFB0  }
0x7f: {  	_ =	sfence.sel $0x180000  }
0x80: {  	[bflag:$0x0] =	sbarrier.arrive $0xFFFF  }
0x81: {  	p0 =	sne.s32 s1, $0x0;
	_ =	strace $0x90000047  }
0x82: {  	s0 =	sadd.s32 @!p0 $0x100000, s0;
	[bflag:$0x2] =	sbarrier.arrive $0xFFFF  }
0x83: {  	[sflag:s0] =	ssyncadd.tile.s32 @!p0 $0x1;
	_ =	shalt  }
.Lfunc_end2:
_tile_overlayer_lowered:
.L_overlay_start_2:
0x84: {  	(tag) =	ssettag $0x2  }
0x85: {  	s0 =	rddreg [dreg:$0x0];
	s2 =	stileid.u32  }
0x86: {  	s1 =	rddreg [dreg:$0x1];
	p0 =	sne.s32 s2, $0x0  }
0x87: {  	s3 =	rddreg [dreg:$0x2];
	[bflag:$0x3] =	sbarrier.arrive $0xFFFF;
	s2 =	simm.s32 @!p0 $0x1C03  }
0x88: {  	[timem:s3], [sflag:s2] =	dma.local @!p0 [hbm:s0], s1  }
0x89: {  	s0 =	simm.s32 @!p0 $0x3  }
0x8a: {  	_ =	swait.ge @!p0 [sflag:s0], s1  }
0x8b: {  	s1 =	ssub.s32 @!p0 $0x0, s1;
	[sflag:s0] =	ssyncset.done @!p0 $0x0  }
0x8c: {  	[sflag:s0] =	ssyncadd.s32 @!p0 s1  }
0x8d: {  	[bflag:$0x3] =	sbarrier.arrive $0xFFFF  }
0x8e: {  	_ =	shalt  }

</sc_bundles>
